<compile_context>
chip_gen: v7x
topology: tpu7x:2x2x1
jax: 0.10.2.dev20260603
libtpu: 0.0.44.dev20260713+nightly
codegen_flags: <defaults>
</compile_context>

<pallas_src>
import functools

import jax
import jax.numpy as jnp
from jax import lax
from jax.experimental import pallas as pl
from jax.experimental.pallas import tpu as pltpu
from jax.experimental.pallas import tpu_sc as plsc

BS = 32
NCROPS = 10
T = 32
FVIS = 1024
FTXT = 512
FFUSE = FVIS + FTXT
K = T // 10


VPB = 4


def _mlp_mag_kernel(x_ref, t_ref, w1_ref, b1_ref, w2_ref, b2_ref, w3_ref,
                    b3_ref, scores_ref, mags_ref, idx_ref, sel_ref):
    rows = VPB * NCROPS * T
    xv = x_ref[...].reshape(rows, FVIS)
    xt = t_ref[...].reshape(rows, FTXT)
    h = jnp.dot(xv.astype(jnp.bfloat16), w1_ref[:FVIS, :],
                preferred_element_type=jnp.float32)
    h += jnp.dot(xt.astype(jnp.bfloat16), w1_ref[FVIS:, :],
                 preferred_element_type=jnp.float32)
    h = jax.nn.relu(h + b1_ref[0])
    h2 = jax.nn.relu(
        jnp.dot(h, w2_ref[...], preferred_element_type=jnp.float32) + b2_ref[0])
    logit = jnp.dot(h2, w3_ref[...], preferred_element_type=jnp.float32)
    s = jax.nn.sigmoid(logit + b3_ref[0])
    sblk = s.reshape(VPB, NCROPS, T, 1).mean(axis=1)
    scores_ref[...] = sblk

    sq = (xv * xv).sum(axis=1, keepdims=True) + (xt * xt).sum(
        axis=1, keepdims=True)
    mblk = jnp.sqrt(sq).reshape(VPB, NCROPS, T, 1).mean(axis=1)
    mags_ref[...] = mblk

    tio = jax.lax.broadcasted_iota(jnp.int32, (T, 1), 0)
    for g in range(VPB):
        m = mblk[g]
        sg = sblk[g]
        ssum = jnp.float32(0.0)
        for kk in range(K):
            val = jnp.max(m)
            pos = jnp.min(jnp.where(m == val, tio, T))
            idx_ref[g, 0, kk] = pos
            hit = tio == pos
            ssum += jnp.sum(jnp.where(hit, sg, 0.0))
            m = jnp.where(hit, -jnp.inf, m)
        sel_ref[g, 0, 0] = ssum * (1.0 / K)


def _scores_mags(inputs, text, W1, b1, W2, b2, W3, b3):
    return pl.pallas_call(
        _mlp_mag_kernel,
        grid=(BS // VPB,),
        in_specs=[
            pl.BlockSpec((VPB, NCROPS, T, FVIS), lambda b: (b, 0, 0, 0)),
            pl.BlockSpec((VPB, NCROPS, T, FTXT), lambda b: (b, 0, 0, 0)),
            pl.BlockSpec((FFUSE, 512), lambda b: (0, 0)),
            pl.BlockSpec((1, 512), lambda b: (0, 0)),
            pl.BlockSpec((512, 128), lambda b: (0, 0)),
            pl.BlockSpec((1, 128), lambda b: (0, 0)),
            pl.BlockSpec((128, 1), lambda b: (0, 0)),
            pl.BlockSpec((1, 1), lambda b: (0, 0)),
        ],
        out_specs=[
            pl.BlockSpec((VPB, T, 1), lambda b: (b, 0, 0)),
            pl.BlockSpec((VPB, T, 1), lambda b: (b, 0, 0)),
            pl.BlockSpec((VPB, 1, K), lambda b: (b, 0, 0),
                         memory_space=pltpu.SMEM),
            pl.BlockSpec((VPB, 1, 1), lambda b: (b, 0, 0),
                         memory_space=pltpu.SMEM),
        ],
        out_shape=[
            jax.ShapeDtypeStruct((BS, T, 1), jnp.float32),
            jax.ShapeDtypeStruct((BS, T, 1), jnp.float32),
            jax.ShapeDtypeStruct((BS, 1, K), jnp.int32),
            jax.ShapeDtypeStruct((BS, 1, 1), jnp.float32),
        ],
    )(inputs, text, W1.astype(jnp.bfloat16), b1.reshape(1, 512), W2,
      b2.reshape(1, 128), W3, b3.reshape(1, 1))


HALF = BS // 2
NROWS = NCROPS * HALF * K
LANES = 16


def _sc_gather_body(vis_hbm, txt_hbm, idx_hbm, out_n, out_a0, out_a1, out_a2,
                    out_a3, out_a4, idx_v, vbuf_n, tbuf_n, vbuf_a, tbuf_a,
                    sem, wsem):
    cid = lax.axis_index("c")
    sid = lax.axis_index("s")
    wid = sid * 2 + cid

    @pl.when(wid < K * NCROPS)
    def _():
        pltpu.sync_copy(idx_hbm, idx_v)

        lane = lax.iota(jnp.int32, LANES)
        j = wid // NCROPS
        c = lax.rem(wid, NCROPS)
        base = wid * LANES

        copies = []
        for off, vbuf, tbuf in ((0, vbuf_n, tbuf_n), (HALF, vbuf_a, tbuf_a)):
            video = off + lane
            t = plsc.load_gather(idx_v, [video * K + j])
            src = video * (NCROPS * T) + c * T + t
            copies.append(pltpu.async_copy(vis_hbm.at[src], vbuf, sem))
            copies.append(pltpu.async_copy(txt_hbm.at[src], tbuf, sem))
        for cp in copies:
            cp.wait()

        writes = []
        for out, vbuf, tbuf in ((out_n, vbuf_n, tbuf_n),
                                (out_a0, vbuf_a, tbuf_a),
                                (out_a1, vbuf_a, tbuf_a),
                                (out_a2, vbuf_a, tbuf_a),
                                (out_a3, vbuf_a, tbuf_a),
                                (out_a4, vbuf_a, tbuf_a)):
            writes.append(
                pltpu.async_copy(vbuf,
                                 out.at[pl.ds(base, LANES), pl.ds(0, FVIS)],
                                 wsem))
            writes.append(
                pltpu.async_copy(tbuf,
                                 out.at[pl.ds(base, LANES),
                                        pl.ds(FVIS, FTXT)], wsem))
        for w in writes:
            w.wait()


_sc_gather = functools.partial(
    pl.kernel,
    mesh=plsc.VectorSubcoreMesh(core_axis_name="c", subcore_axis_name="s"),
    compiler_params=pltpu.CompilerParams(needs_layout_passes=False),
    out_type=[jax.ShapeDtypeStruct((NROWS, FFUSE), jnp.float32)] * 6,
    scratch_types=[
        pltpu.VMEM((BS * K,), jnp.int32),
        pltpu.VMEM((LANES, FVIS), jnp.float32),
        pltpu.VMEM((LANES, FTXT), jnp.float32),
        pltpu.VMEM((LANES, FVIS), jnp.float32),
        pltpu.VMEM((LANES, FTXT), jnp.float32),
        pltpu.SemaphoreType.DMA,
        pltpu.SemaphoreType.DMA,
    ],
)(_sc_gather_body)


def kernel(inputs, text, W1, b1, W2, b2, W3, b3):
    scores, mags3, idx, sel = _scores_mags(inputs, text, W1, b1, W2, b2, W3,
                                           b3)
    mags = mags3[:, :, 0]
    score_normal = sel[:HALF, 0]
    score_abnormal = sel[HALF:, 0]

    vis2 = inputs.reshape(BS * NCROPS * T, FVIS)
    txt2 = text.reshape(BS * NCROPS * T, FTXT)
    feat_n, feat_a0, feat_a1, feat_a2, feat_a3, feat_a4 = _sc_gather(
        vis2, txt2, idx.reshape(BS * K))

    def shape(f):
        return f.reshape(K, NCROPS * HALF, FFUSE).transpose(1, 0, 2)

    return (score_abnormal, score_normal, shape(feat_a0), shape(feat_n),
            shape(feat_a1), shape(feat_a2), scores, shape(feat_a3),
            shape(feat_a4), mags)

# --- scband reference (transcript-rebuilt; emitter-appended) ---
"""Pipeline reference for scband-model-69853348102853 (READ-ONLY COPY).

The authoritative reference and input builder live on the scoring server;
editing this copy changes nothing except your own understanding.
"""

import jax, jax.numpy as jnp
import numpy as np

BS = 32
NCROPS = 10
T = 32
FVIS = 1024
FTXT = 512
FFUSE = FVIS + FTXT


def _xavier(key, shape):
    fan_in, fan_out = shape[0], shape[1]
    a = float(np.sqrt(6.0 / (fan_in + fan_out)))
    return jax.random.uniform(key, shape, jnp.float32, -a, a)


def setup_inputs(seed: int = 0) -> dict:
    key = jax.random.key(seed)
    ks = jax.random.split(key, 6)
    inputs = jax.random.normal(ks[0], (BS, NCROPS, T, FVIS), jnp.float32)
    text = jax.random.normal(ks[1], (BS, NCROPS, T, FTXT), jnp.float32)
    W1 = _xavier(ks[2], (FFUSE, 512))
    b1 = jnp.zeros((512,), jnp.float32)
    W2 = _xavier(ks[3], (512, 128))
    b2 = jnp.zeros((128,), jnp.float32)
    W3 = _xavier(ks[4], (128, 1))
    b3 = jnp.zeros((1,), jnp.float32)
    return {"inputs": inputs, "text": text, "W1": W1, "b1": b1, "W2": W2, "b2": b2, "W3": W3, "b3": b3}


def reference(inputs, text, W1, b1, W2, b2, W3, b3):
    bs, ncrops, t, f = inputs.shape
    t2, f2 = text.shape[2], text.shape[3]
    batch_size = bs // 2
    k_abn = t // 10
    k_nor = t // 10

    out = inputs.reshape(-1, t, f)
    out2 = text.reshape(-1, t2, f2)
    # fusion == 'concat'
    out = jnp.concatenate([out, out2], axis=2)
    # Aggregate treated as identity (definition not provided); dropout in eval mode = identity
    features = out

    scores = jax.nn.relu(features @ W1 + b1)
    scores = jax.nn.relu(scores @ W2 + b2)
    scores = jax.nn.sigmoid(scores @ W3 + b3)
    scores = scores.reshape(bs, ncrops, -1).mean(axis=1)
    scores = scores[:, :, None]

    normal_features = features[: batch_size * ncrops]
    normal_scores = scores[:batch_size]
    abnormal_features = features[batch_size * ncrops:]
    abnormal_scores = scores[batch_size:]

    feat_magnitudes = jnp.linalg.norm(features, axis=2)
    feat_magnitudes = feat_magnitudes.reshape(bs, ncrops, -1).mean(axis=1)
    nfea_magnitudes = feat_magnitudes[:batch_size]
    afea_magnitudes = feat_magnitudes[batch_size:]
    n_size = nfea_magnitudes.shape[0]
    Fd = abnormal_features.shape[2]

    # select_idx dropout is identity in eval -> magnitudes unchanged
    _, idx_abn = jax.lax.top_k(afea_magnitudes, k_abn)
    idx_abn_feat = jnp.broadcast_to(idx_abn[:, :, None], (n_size, k_abn, Fd))
    abn = abnormal_features.reshape(n_size, ncrops, t, Fd).transpose(1, 0, 2, 3)
    sel = [jnp.take_along_axis(abn[c], idx_abn_feat, axis=1) for c in range(ncrops)]
    total_select_abn_feature = jnp.concatenate(sel, axis=0)
    idx_abn_score = idx_abn[:, :, None]
    score_abnormal = jnp.mean(jnp.take_along_axis(abnormal_scores, idx_abn_score, axis=1), axis=1)

    _, idx_normal = jax.lax.top_k(nfea_magnitudes, k_nor)
    idx_normal_feat = jnp.broadcast_to(idx_normal[:, :, None], (n_size, k_nor, Fd))
    nor = normal_features.reshape(n_size, ncrops, t, Fd).transpose(1, 0, 2, 3)
    seln = [jnp.take_along_axis(nor[c], idx_normal_feat, axis=1) for c in range(ncrops)]
    total_select_nor_feature = jnp.concatenate(seln, axis=0)
    idx_normal_score = idx_normal[:, :, None]
    score_normal = jnp.mean(jnp.take_along_axis(normal_scores, idx_normal_score, axis=1), axis=1)

    feat_select_abn = total_select_abn_feature
    feat_select_normal = total_select_nor_feature
    return (score_abnormal, score_normal, feat_select_abn, feat_select_normal,
            feat_select_abn, feat_select_abn, scores, feat_select_abn,
            feat_select_abn, feat_magnitudes)

if __name__ == "__main__":
    import jax
    _d = setup_inputs()
    print(jax.jit(kernel)(*tuple(_d.values())))

</pallas_src>

<mosaic_0001>
#map = affine_map<(d0, d1) -> (0, 0)>
#map1 = affine_map<(d0, d1) -> (0)>
module attributes {stable_mosaic.version = 14 : i64} {
  func.func @_sc_gather_body(%arg0: i32, %arg1: i32, %arg2: memref<10240x1024xf32, #tpu.memory_space<hbm>>, %arg3: memref<10240x512xf32, #tpu.memory_space<hbm>>, %arg4: memref<96xi32, #tpu.memory_space<hbm>>, %arg5: memref<480x1536xf32, #tpu.memory_space<hbm>>, %arg6: memref<480x1536xf32, #tpu.memory_space<hbm>>, %arg7: memref<480x1536xf32, #tpu.memory_space<hbm>>, %arg8: memref<480x1536xf32, #tpu.memory_space<hbm>>, %arg9: memref<480x1536xf32, #tpu.memory_space<hbm>>, %arg10: memref<480x1536xf32, #tpu.memory_space<hbm>>, %arg11: memref<96xi32, #tpu.memory_space<vmem>>, %arg12: memref<16x1024xf32, #tpu.memory_space<vmem>>, %arg13: memref<16x512xf32, #tpu.memory_space<vmem>>, %arg14: memref<16x1024xf32, #tpu.memory_space<vmem>>, %arg15: memref<16x512xf32, #tpu.memory_space<vmem>>, %arg16: memref<!tpu.dma_semaphore, #tpu.memory_space<semaphore_mem>>, %arg17: memref<!tpu.dma_semaphore, #tpu.memory_space<semaphore_mem>>) attributes {dimension_semantics = [#tpu.dimension_semantics<core_parallel>, #tpu.dimension_semantics<subcore_parallel>], iteration_bounds = array<i64: 2, 16>, scalar_prefetch = 0 : i64, scratch_operands = 7 : i64, tpu.core_type = #tpu.core_type<sc_vector_subcore>, window_params = [{transform_indices = #map}, {transform_indices = #map}, {transform_indices = #map1}, {transform_indices = #map}, {transform_indices = #map}, {transform_indices = #map}, {transform_indices = #map}, {transform_indices = #map}, {transform_indices = #map}]} {
    %mul3A = arith.constant 2 : i32
    %mul3A_0 = arith.muli %arg1, %mul3A : i32
    %add3A = arith.addi %mul3A_0, %arg0 : i32
    %lt3A = arith.constant 30 : i32
    %lt3A_1 = arith.cmpi slt, %add3A, %lt3A : i32
    %convert_element_type3A = arith.extui %lt3A_1 : i1 to i32
    %cond3A = arith.constant 0 : i32
    %cond3A_2 = arith.cmpi ne, %convert_element_type3A, %cond3A : i32
    scf.if %cond3A_2 {
      "tpu.region"() ({
        %run_scoped3A = tpu.sem_alloc : memref<!tpu.dma_semaphore, #tpu.memory_space<semaphore_mem>>
        tpu.enqueue_dma source(%arg4 : memref<96xi32, #tpu.memory_space<hbm>>) target(%arg11 : memref<96xi32, #tpu.memory_space<vmem>>) target_semaphore(%run_scoped3A : memref<!tpu.dma_semaphore, #tpu.memory_space<semaphore_mem>>)
        tpu.wait_dma2 semaphore(%run_scoped3A : memref<!tpu.dma_semaphore, #tpu.memory_space<semaphore_mem>>) src(%arg4 : memref<96xi32, #tpu.memory_space<hbm>>) dst(%arg11 : memref<96xi32, #tpu.memory_space<vmem>>)
        tpu.yield
      }) : () -> ()
      %iota3A = tpu.iota {dimensions = array<i32: 0>} : vector<16xi32>
      %jit3A = arith.constant 10 : i32
      %div3A = arith.divsi %add3A, %jit3A : i32
      %sign3A = arith.constant 0 : i32
      %sign3A_3 = arith.cmpi sgt, %add3A, %sign3A : i32
      %sign3A_4 = arith.extui %sign3A_3 : i1 to i32
      %sign3A_5 = arith.constant 0 : i32
      %sign3A_6 = arith.cmpi slt, %add3A, %sign3A_5 : i32
      %sign3A_7 = arith.extui %sign3A_6 : i1 to i32
      %sign3A_8 = arith.subi %sign3A_4, %sign3A_7 : i32
      %sign3A_9 = arith.constant 0 : i32
      %sign3A_10 = arith.cmpi sgt, %jit3A, %sign3A_9 : i32
      %sign3A_11 = arith.extui %sign3A_10 : i1 to i32
      %sign3A_12 = arith.constant 0 : i32
      %sign3A_13 = arith.cmpi slt, %jit3A, %sign3A_12 : i32
      %sign3A_14 = arith.extui %sign3A_13 : i1 to i32
      %sign3A_15 = arith.subi %sign3A_11, %sign3A_14 : i32
      %ne3A = arith.cmpi ne, %sign3A_8, %sign3A_15 : i32
      %rem3A = arith.remsi %add3A, %jit3A : i32
      %ne3A_16 = arith.constant 0 : i32
      %ne3A_17 = arith.cmpi ne, %rem3A, %ne3A_16 : i32
      %and3A = arith.andi %ne3A, %ne3A_17 : i1
      %sub3A = arith.constant 1 : i32
      %sub3A_18 = arith.subi %div3A, %sub3A : i32
      %select_n3A = arith.select %and3A, %sub3A_18, %div3A : i32
      %rem3A_19 = arith.constant 10 : i32
      %rem3A_20 = arith.remsi %add3A, %rem3A_19 : i32
      %mul3A_21 = arith.constant 16 : i32
      %mul3A_22 = arith.muli %add3A, %mul3A_21 : i32
      %add3A_23 = arith.constant 0 : i32
      %add3A_24 = vector.broadcast %add3A_23 : i32 to vector<16xi32>
      %add3A_25 = arith.addi %add3A_24, %iota3A : vector<16xi32>
      %mul3A_26 = arith.constant 3 : i32
      %mul3A_27 = vector.broadcast %mul3A_26 : i32 to vector<16xi32>
      %mul3A_28 = arith.muli %add3A_25, %mul3A_27 : vector<16xi32>
      %add3A_29 = vector.broadcast %select_n3A : i32 to vector<16xi32>
      %add3A_30 = arith.addi %mul3A_28, %add3A_29 : vector<16xi32>
      %gather3A = tpu.vector_load_idx %arg11[%add3A_30] : memref<96xi32, #tpu.memory_space<vmem>>[vector<16xi32>], vector<16xi32>,
      %mul3A_31 = arith.constant 320 : i32
      %mul3A_32 = vector.broadcast %mul3A_31 : i32 to vector<16xi32>
      %mul3A_33 = arith.muli %add3A_25, %mul3A_32 : vector<16xi32>
      %mul3A_34 = arith.constant 32 : i32
      %mul3A_35 = arith.muli %rem3A_20, %mul3A_34 : i32
      %add3A_36 = vector.broadcast %mul3A_35 : i32 to vector<16xi32>
      %add3A_37 = arith.addi %mul3A_33, %add3A_36 : vector<16xi32>
      %add3A_38 = arith.addi %add3A_37, %gather3A : vector<16xi32>
      %dma_start3A = arith.constant 0 : i32
      %dma_start3A_39 = arith.constant 0 : i32
      %dma_start3A_40 = tpu.memref_slice %arg2[%dma_start3A, %dma_start3A_39] : memref<10240x1024xf32, #tpu.memory_space<hbm>> -> memref<10240x1024xf32, #tpu.memory_space<hbm>>
      tpu.enqueue_indirect_dma source(%dma_start3A_40 : memref<10240x1024xf32, #tpu.memory_space<hbm>>) target(%arg12 : memref<16x1024xf32, #tpu.memory_space<vmem>>) offsets(%add3A_38 : vector<16xi32>) semaphore(%arg16 : memref<!tpu.dma_semaphore, #tpu.memory_space<semaphore_mem>>)
      %dma_start3A_41 = arith.constant 0 : i32
      %dma_start3A_42 = arith.constant 0 : i32
      %dma_start3A_43 = tpu.memref_slice %arg3[%dma_start3A_41, %dma_start3A_42] : memref<10240x512xf32, #tpu.memory_space<hbm>> -> memref<10240x512xf32, #tpu.memory_space<hbm>>
      tpu.enqueue_indirect_dma source(%dma_start3A_43 : memref<10240x512xf32, #tpu.memory_space<hbm>>) target(%arg13 : memref<16x512xf32, #tpu.memory_space<vmem>>) offsets(%add3A_38 : vector<16xi32>) semaphore(%arg16 : memref<!tpu.dma_semaphore, #tpu.memory_space<semaphore_mem>>)
      %add3A_44 = arith.constant 16 : i32
      %add3A_45 = vector.broadcast %add3A_44 : i32 to vector<16xi32>
      %add3A_46 = arith.addi %add3A_45, %iota3A : vector<16xi32>
      %mul3A_47 = arith.constant 3 : i32
      %mul3A_48 = vector.broadcast %mul3A_47 : i32 to vector<16xi32>
      %mul3A_49 = arith.muli %add3A_46, %mul3A_48 : vector<16xi32>
      %add3A_50 = vector.broadcast %select_n3A : i32 to vector<16xi32>
      %add3A_51 = arith.addi %mul3A_49, %add3A_50 : vector<16xi32>
      %gather3A_52 = tpu.vector_load_idx %arg11[%add3A_51] : memref<96xi32, #tpu.memory_space<vmem>>[vector<16xi32>], vector<16xi32>,
      %mul3A_53 = arith.constant 320 : i32
      %mul3A_54 = vector.broadcast %mul3A_53 : i32 to vector<16xi32>
      %mul3A_55 = arith.muli %add3A_46, %mul3A_54 : vector<16xi32>
      %mul3A_56 = arith.constant 32 : i32
      %mul3A_57 = arith.muli %rem3A_20, %mul3A_56 : i32
      %add3A_58 = vector.broadcast %mul3A_57 : i32 to vector<16xi32>
      %add3A_59 = arith.addi %mul3A_55, %add3A_58 : vector<16xi32>
      %add3A_60 = arith.addi %add3A_59, %gather3A_52 : vector<16xi32>
      %dma_start3A_61 = arith.constant 0 : i32
      %dma_start3A_62 = arith.constant 0 : i32
      %dma_start3A_63 = tpu.memref_slice %arg2[%dma_start3A_61, %dma_start3A_62] : memref<10240x1024xf32, #tpu.memory_space<hbm>> -> memref<10240x1024xf32, #tpu.memory_space<hbm>>
      tpu.enqueue_indirect_dma source(%dma_start3A_63 : memref<10240x1024xf32, #tpu.memory_space<hbm>>) target(%arg14 : memref<16x1024xf32, #tpu.memory_space<vmem>>) offsets(%add3A_60 : vector<16xi32>) semaphore(%arg16 : memref<!tpu.dma_semaphore, #tpu.memory_space<semaphore_mem>>)
      %dma_start3A_64 = arith.constant 0 : i32
      %dma_start3A_65 = arith.constant 0 : i32
      %dma_start3A_66 = tpu.memref_slice %arg3[%dma_start3A_64, %dma_start3A_65] : memref<10240x512xf32, #tpu.memory_space<hbm>> -> memref<10240x512xf32, #tpu.memory_space<hbm>>
      tpu.enqueue_indirect_dma source(%dma_start3A_66 : memref<10240x512xf32, #tpu.memory_space<hbm>>) target(%arg15 : memref<16x512xf32, #tpu.memory_space<vmem>>) offsets(%add3A_60 : vector<16xi32>) semaphore(%arg16 : memref<!tpu.dma_semaphore, #tpu.memory_space<semaphore_mem>>)
      %dma_wait3A = arith.constant 0 : i32
      %dma_wait3A_67 = arith.constant 0 : i32
      %dma_wait3A_68 = tpu.memref_slice %arg2[%dma_wait3A, %dma_wait3A_67] : memref<10240x1024xf32, #tpu.memory_space<hbm>> -> memref<10240x1024xf32, #tpu.memory_space<hbm>>
      tpu.wait_indirect_dma semaphore(%arg16 : memref<!tpu.dma_semaphore, #tpu.memory_space<semaphore_mem>>) src(%dma_wait3A_68 : memref<10240x1024xf32, #tpu.memory_space<hbm>>) dst(%arg12 : memref<16x1024xf32, #tpu.memory_space<vmem>>)
      %dma_wait3A_69 = arith.constant 0 : i32
      %dma_wait3A_70 = arith.constant 0 : i32
      %dma_wait3A_71 = tpu.memref_slice %arg3[%dma_wait3A_69, %dma_wait3A_70] : memref<10240x512xf32, #tpu.memory_space<hbm>> -> memref<10240x512xf32, #tpu.memory_space<hbm>>
      tpu.wait_indirect_dma semaphore(%arg16 : memref<!tpu.dma_semaphore, #tpu.memory_space<semaphore_mem>>) src(%dma_wait3A_71 : memref<10240x512xf32, #tpu.memory_space<hbm>>) dst(%arg13 : memref<16x512xf32, #tpu.memory_space<vmem>>)
      %dma_wait3A_72 = arith.constant 0 : i32
      %dma_wait3A_73 = arith.constant 0 : i32
      %dma_wait3A_74 = tpu.memref_slice %arg2[%dma_wait3A_72, %dma_wait3A_73] : memref<10240x1024xf32, #tpu.memory_space<hbm>> -> memref<10240x1024xf32, #tpu.memory_space<hbm>>
      tpu.wait_indirect_dma semaphore(%arg16 : memref<!tpu.dma_semaphore, #tpu.memory_space<semaphore_mem>>) src(%dma_wait3A_74 : memref<10240x1024xf32, #tpu.memory_space<hbm>>) dst(%arg14 : memref<16x1024xf32, #tpu.memory_space<vmem>>)
      %dma_wait3A_75 = arith.constant 0 : i32
      %dma_wait3A_76 = arith.constant 0 : i32
      %dma_wait3A_77 = tpu.memref_slice %arg3[%dma_wait3A_75, %dma_wait3A_76] : memref<10240x512xf32, #tpu.memory_space<hbm>> -> memref<10240x512xf32, #tpu.memory_space<hbm>>
      tpu.wait_indirect_dma semaphore(%arg16 : memref<!tpu.dma_semaphore, #tpu.memory_space<semaphore_mem>>) src(%dma_wait3A_77 : memref<10240x512xf32, #tpu.memory_space<hbm>>) dst(%arg15 : memref<16x512xf32, #tpu.memory_space<vmem>>)
      %dma_start3A_78 = arith.constant 0 : i32
      %dma_start3A_79 = tpu.memref_slice %arg5[%mul3A_22, %dma_start3A_78] : memref<480x1536xf32, #tpu.memory_space<hbm>> -> memref<16x1024xf32, #tpu.memory_space<hbm>>
      %dma_start3A_80 = arith.constant 0 : i32
      %dma_start3A_81 = tpu.memref_slice %arg5[%mul3A_22, %dma_start3A_80] : memref<480x1536xf32, #tpu.memory_space<hbm>> -> memref<16x1024xf32, #tpu.memory_space<hbm>>
      tpu.enqueue_dma source(%arg12 : memref<16x1024xf32, #tpu.memory_space<vmem>>) target(%dma_start3A_81 : memref<16x1024xf32, #tpu.memory_space<hbm>>) target_semaphore(%arg17 : memref<!tpu.dma_semaphore, #tpu.memory_space<semaphore_mem>>)
      %dma_start3A_82 = arith.constant 1024 : i32
      %dma_start3A_83 = tpu.memref_slice %arg5[%mul3A_22, %dma_start3A_82] : memref<480x1536xf32, #tpu.memory_space<hbm>> -> memref<16x512xf32, #tpu.memory_space<hbm>>
      %dma_start3A_84 = arith.constant 1024 : i32
      %dma_start3A_85 = tpu.memref_slice %arg5[%mul3A_22, %dma_start3A_84] : memref<480x1536xf32, #tpu.memory_space<hbm>> -> memref<16x512xf32, #tpu.memory_space<hbm>>
      tpu.enqueue_dma source(%arg13 : memref<16x512xf32, #tpu.memory_space<vmem>>) target(%dma_start3A_85 : memref<16x512xf32, #tpu.memory_space<hbm>>) target_semaphore(%arg17 : memref<!tpu.dma_semaphore, #tpu.memory_space<semaphore_mem>>)
      %dma_start3A_86 = arith.constant 0 : i32
      %dma_start3A_87 = tpu.memref_slice %arg6[%mul3A_22, %dma_start3A_86] : memref<480x1536xf32, #tpu.memory_space<hbm>> -> memref<16x1024xf32, #tpu.memory_space<hbm>>
      %dma_start3A_88 = arith.constant 0 : i32
      %dma_start3A_89 = tpu.memref_slice %arg6[%mul3A_22, %dma_start3A_88] : memref<480x1536xf32, #tpu.memory_space<hbm>> -> memref<16x1024xf32, #tpu.memory_space<hbm>>
      tpu.enqueue_dma source(%arg14 : memref<16x1024xf32, #tpu.memory_space<vmem>>) target(%dma_start3A_89 : memref<16x1024xf32, #tpu.memory_space<hbm>>) target_semaphore(%arg17 : memref<!tpu.dma_semaphore, #tpu.memory_space<semaphore_mem>>)
      %dma_start3A_90 = arith.constant 1024 : i32
      %dma_start3A_91 = tpu.memref_slice %arg6[%mul3A_22, %dma_start3A_90] : memref<480x1536xf32, #tpu.memory_space<hbm>> -> memref<16x512xf32, #tpu.memory_space<hbm>>
      %dma_start3A_92 = arith.constant 1024 : i32
      %dma_start3A_93 = tpu.memref_slice %arg6[%mul3A_22, %dma_start3A_92] : memref<480x1536xf32, #tpu.memory_space<hbm>> -> memref<16x512xf32, #tpu.memory_space<hbm>>
      tpu.enqueue_dma source(%arg15 : memref<16x512xf32, #tpu.memory_space<vmem>>) target(%dma_start3A_93 : memref<16x512xf32, #tpu.memory_space<hbm>>) target_semaphore(%arg17 : memref<!tpu.dma_semaphore, #tpu.memory_space<semaphore_mem>>)
      %dma_start3A_94 = arith.constant 0 : i32
      %dma_start3A_95 = tpu.memref_slice %arg7[%mul3A_22, %dma_start3A_94] : memref<480x1536xf32, #tpu.memory_space<hbm>> -> memref<16x1024xf32, #tpu.memory_space<hbm>>
      %dma_start3A_96 = arith.constant 0 : i32
      %dma_start3A_97 = tpu.memref_slice %arg7[%mul3A_22, %dma_start3A_96] : memref<480x1536xf32, #tpu.memory_space<hbm>> -> memref<16x1024xf32, #tpu.memory_space<hbm>>
      tpu.enqueue_dma source(%arg14 : memref<16x1024xf32, #tpu.memory_space<vmem>>) target(%dma_start3A_97 : memref<16x1024xf32, #tpu.memory_space<hbm>>) target_semaphore(%arg17 : memref<!tpu.dma_semaphore, #tpu.memory_space<semaphore_mem>>)
      %dma_start3A_98 = arith.constant 1024 : i32
      %dma_start3A_99 = tpu.memref_slice %arg7[%mul3A_22, %dma_start3A_98] : memref<480x1536xf32, #tpu.memory_space<hbm>> -> memref<16x512xf32, #tpu.memory_space<hbm>>
      %dma_start3A_100 = arith.constant 1024 : i32
      %dma_start3A_101 = tpu.memref_slice %arg7[%mul3A_22, %dma_start3A_100] : memref<480x1536xf32, #tpu.memory_space<hbm>> -> memref<16x512xf32, #tpu.memory_space<hbm>>
      tpu.enqueue_dma source(%arg15 : memref<16x512xf32, #tpu.memory_space<vmem>>) target(%dma_start3A_101 : memref<16x512xf32, #tpu.memory_space<hbm>>) target_semaphore(%arg17 : memref<!tpu.dma_semaphore, #tpu.memory_space<semaphore_mem>>)
      %dma_start3A_102 = arith.constant 0 : i32
      %dma_start3A_103 = tpu.memref_slice %arg8[%mul3A_22, %dma_start3A_102] : memref<480x1536xf32, #tpu.memory_space<hbm>> -> memref<16x1024xf32, #tpu.memory_space<hbm>>
      %dma_start3A_104 = arith.constant 0 : i32
      %dma_start3A_105 = tpu.memref_slice %arg8[%mul3A_22, %dma_start3A_104] : memref<480x1536xf32, #tpu.memory_space<hbm>> -> memref<16x1024xf32, #tpu.memory_space<hbm>>
      tpu.enqueue_dma source(%arg14 : memref<16x1024xf32, #tpu.memory_space<vmem>>) target(%dma_start3A_105 : memref<16x1024xf32, #tpu.memory_space<hbm>>) target_semaphore(%arg17 : memref<!tpu.dma_semaphore, #tpu.memory_space<semaphore_mem>>)
      %dma_start3A_106 = arith.constant 1024 : i32
      %dma_start3A_107 = tpu.memref_slice %arg8[%mul3A_22, %dma_start3A_106] : memref<480x1536xf32, #tpu.memory_space<hbm>> -> memref<16x512xf32, #tpu.memory_space<hbm>>
      %dma_start3A_108 = arith.constant 1024 : i32
      %dma_start3A_109 = tpu.memref_slice %arg8[%mul3A_22, %dma_start3A_108] : memref<480x1536xf32, #tpu.memory_space<hbm>> -> memref<16x512xf32, #tpu.memory_space<hbm>>
      tpu.enqueue_dma source(%arg15 : memref<16x512xf32, #tpu.memory_space<vmem>>) target(%dma_start3A_109 : memref<16x512xf32, #tpu.memory_space<hbm>>) target_semaphore(%arg17 : memref<!tpu.dma_semaphore, #tpu.memory_space<semaphore_mem>>)
      %dma_start3A_110 = arith.constant 0 : i32
      %dma_start3A_111 = tpu.memref_slice %arg9[%mul3A_22, %dma_start3A_110] : memref<480x1536xf32, #tpu.memory_space<hbm>> -> memref<16x1024xf32, #tpu.memory_space<hbm>>
      %dma_start3A_112 = arith.constant 0 : i32
      %dma_start3A_113 = tpu.memref_slice %arg9[%mul3A_22, %dma_start3A_112] : memref<480x1536xf32, #tpu.memory_space<hbm>> -> memref<16x1024xf32, #tpu.memory_space<hbm>>
      tpu.enqueue_dma source(%arg14 : memref<16x1024xf32, #tpu.memory_space<vmem>>) target(%dma_start3A_113 : memref<16x1024xf32, #tpu.memory_space<hbm>>) target_semaphore(%arg17 : memref<!tpu.dma_semaphore, #tpu.memory_space<semaphore_mem>>)
      %dma_start3A_114 = arith.constant 1024 : i32
      %dma_start3A_115 = tpu.memref_slice %arg9[%mul3A_22, %dma_start3A_114] : memref<480x1536xf32, #tpu.memory_space<hbm>> -> memref<16x512xf32, #tpu.memory_space<hbm>>
      %dma_start3A_116 = arith.constant 1024 : i32
      %dma_start3A_117 = tpu.memref_slice %arg9[%mul3A_22, %dma_start3A_116] : memref<480x1536xf32, #tpu.memory_space<hbm>> -> memref<16x512xf32, #tpu.memory_space<hbm>>
      tpu.enqueue_dma source(%arg15 : memref<16x512xf32, #tpu.memory_space<vmem>>) target(%dma_start3A_117 : memref<16x512xf32, #tpu.memory_space<hbm>>) target_semaphore(%arg17 : memref<!tpu.dma_semaphore, #tpu.memory_space<semaphore_mem>>)
      %dma_start3A_118 = arith.constant 0 : i32
      %dma_start3A_119 = tpu.memref_slice %arg10[%mul3A_22, %dma_start3A_118] : memref<480x1536xf32, #tpu.memory_space<hbm>> -> memref<16x1024xf32, #tpu.memory_space<hbm>>
      %dma_start3A_120 = arith.constant 0 : i32
      %dma_start3A_121 = tpu.memref_slice %arg10[%mul3A_22, %dma_start3A_120] : memref<480x1536xf32, #tpu.memory_space<hbm>> -> memref<16x1024xf32, #tpu.memory_space<hbm>>
      tpu.enqueue_dma source(%arg14 : memref<16x1024xf32, #tpu.memory_space<vmem>>) target(%dma_start3A_121 : memref<16x1024xf32, #tpu.memory_space<hbm>>) target_semaphore(%arg17 : memref<!tpu.dma_semaphore, #tpu.memory_space<semaphore_mem>>)
      %dma_start3A_122 = arith.constant 1024 : i32
      %dma_start3A_123 = tpu.memref_slice %arg10[%mul3A_22, %dma_start3A_122] : memref<480x1536xf32, #tpu.memory_space<hbm>> -> memref<16x512xf32, #tpu.memory_space<hbm>>
      %dma_start3A_124 = arith.constant 1024 : i32
      %dma_start3A_125 = tpu.memref_slice %arg10[%mul3A_22, %dma_start3A_124] : memref<480x1536xf32, #tpu.memory_space<hbm>> -> memref<16x512xf32, #tpu.memory_space<hbm>>
      tpu.enqueue_dma source(%arg15 : memref<16x512xf32, #tpu.memory_space<vmem>>) target(%dma_start3A_125 : memref<16x512xf32, #tpu.memory_space<hbm>>) target_semaphore(%arg17 : memref<!tpu.dma_semaphore, #tpu.memory_space<semaphore_mem>>)
      %dma_wait3A_126 = arith.constant 0 : i32
      %dma_wait3A_127 = tpu.memref_slice %arg5[%mul3A_22, %dma_wait3A_126] : memref<480x1536xf32, #tpu.memory_space<hbm>> -> memref<16x1024xf32, #tpu.memory_space<hbm>>
      %dma_wait3A_128 = arith.constant 0 : i32
      %dma_wait3A_129 = tpu.memref_slice %arg5[%mul3A_22, %dma_wait3A_128] : memref<480x1536xf32, #tpu.memory_space<hbm>> -> memref<16x1024xf32, #tpu.memory_space<hbm>>
      tpu.wait_dma2 semaphore(%arg17 : memref<!tpu.dma_semaphore, #tpu.memory_space<semaphore_mem>>) src(%arg12 : memref<16x1024xf32, #tpu.memory_space<vmem>>) dst(%dma_wait3A_129 : memref<16x1024xf32, #tpu.memory_space<hbm>>)
      %dma_wait3A_130 = arith.constant 1024 : i32
      %dma_wait3A_131 = tpu.memref_slice %arg5[%mul3A_22, %dma_wait3A_130] : memref<480x1536xf32, #tpu.memory_space<hbm>> -> memref<16x512xf32, #tpu.memory_space<hbm>>
      %dma_wait3A_132 = arith.constant 1024 : i32
      %dma_wait3A_133 = tpu.memref_slice %arg5[%mul3A_22, %dma_wait3A_132] : memref<480x1536xf32, #tpu.memory_space<hbm>> -> memref<16x512xf32, #tpu.memory_space<hbm>>
      tpu.wait_dma2 semaphore(%arg17 : memref<!tpu.dma_semaphore, #tpu.memory_space<semaphore_mem>>) src(%arg13 : memref<16x512xf32, #tpu.memory_space<vmem>>) dst(%dma_wait3A_133 : memref<16x512xf32, #tpu.memory_space<hbm>>)
      %dma_wait3A_134 = arith.constant 0 : i32
      %dma_wait3A_135 = tpu.memref_slice %arg6[%mul3A_22, %dma_wait3A_134] : memref<480x1536xf32, #tpu.memory_space<hbm>> -> memref<16x1024xf32, #tpu.memory_space<hbm>>
      %dma_wait3A_136 = arith.constant 0 : i32
      %dma_wait3A_137 = tpu.memref_slice %arg6[%mul3A_22, %dma_wait3A_136] : memref<480x1536xf32, #tpu.memory_space<hbm>> -> memref<16x1024xf32, #tpu.memory_space<hbm>>
      tpu.wait_dma2 semaphore(%arg17 : memref<!tpu.dma_semaphore, #tpu.memory_space<semaphore_mem>>) src(%arg14 : memref<16x1024xf32, #tpu.memory_space<vmem>>) dst(%dma_wait3A_137 : memref<16x1024xf32, #tpu.memory_space<hbm>>)
      %dma_wait3A_138 = arith.constant 1024 : i32
      %dma_wait3A_139 = tpu.memref_slice %arg6[%mul3A_22, %dma_wait3A_138] : memref<480x1536xf32, #tpu.memory_space<hbm>> -> memref<16x512xf32, #tpu.memory_space<hbm>>
      %dma_wait3A_140 = arith.constant 1024 : i32
      %dma_wait3A_141 = tpu.memref_slice %arg6[%mul3A_22, %dma_wait3A_140] : memref<480x1536xf32, #tpu.memory_space<hbm>> -> memref<16x512xf32, #tpu.memory_space<hbm>>
      tpu.wait_dma2 semaphore(%arg17 : memref<!tpu.dma_semaphore, #tpu.memory_space<semaphore_mem>>) src(%arg15 : memref<16x512xf32, #tpu.memory_space<vmem>>) dst(%dma_wait3A_141 : memref<16x512xf32, #tpu.memory_space<hbm>>)
      %dma_wait3A_142 = arith.constant 0 : i32
      %dma_wait3A_143 = tpu.memref_slice %arg7[%mul3A_22, %dma_wait3A_142] : memref<480x1536xf32, #tpu.memory_space<hbm>> -> memref<16x1024xf32, #tpu.memory_space<hbm>>
      %dma_wait3A_144 = arith.constant 0 : i32
      %dma_wait3A_145 = tpu.memref_slice %arg7[%mul3A_22, %dma_wait3A_144] : memref<480x1536xf32, #tpu.memory_space<hbm>> -> memref<16x1024xf32, #tpu.memory_space<hbm>>
      tpu.wait_dma2 semaphore(%arg17 : memref<!tpu.dma_semaphore, #tpu.memory_space<semaphore_mem>>) src(%arg14 : memref<16x1024xf32, #tpu.memory_space<vmem>>) dst(%dma_wait3A_145 : memref<16x1024xf32, #tpu.memory_space<hbm>>)
      %dma_wait3A_146 = arith.constant 1024 : i32
      %dma_wait3A_147 = tpu.memref_slice %arg7[%mul3A_22, %dma_wait3A_146] : memref<480x1536xf32, #tpu.memory_space<hbm>> -> memref<16x512xf32, #tpu.memory_space<hbm>>
      %dma_wait3A_148 = arith.constant 1024 : i32
      %dma_wait3A_149 = tpu.memref_slice %arg7[%mul3A_22, %dma_wait3A_148] : memref<480x1536xf32, #tpu.memory_space<hbm>> -> memref<16x512xf32, #tpu.memory_space<hbm>>
      tpu.wait_dma2 semaphore(%arg17 : memref<!tpu.dma_semaphore, #tpu.memory_space<semaphore_mem>>) src(%arg15 : memref<16x512xf32, #tpu.memory_space<vmem>>) dst(%dma_wait3A_149 : memref<16x512xf32, #tpu.memory_space<hbm>>)
      %dma_wait3A_150 = arith.constant 0 : i32
      %dma_wait3A_151 = tpu.memref_slice %arg8[%mul3A_22, %dma_wait3A_150] : memref<480x1536xf32, #tpu.memory_space<hbm>> -> memref<16x1024xf32, #tpu.memory_space<hbm>>
      %dma_wait3A_152 = arith.constant 0 : i32
      %dma_wait3A_153 = tpu.memref_slice %arg8[%mul3A_22, %dma_wait3A_152] : memref<480x1536xf32, #tpu.memory_space<hbm>> -> memref<16x1024xf32, #tpu.memory_space<hbm>>
      tpu.wait_dma2 semaphore(%arg17 : memref<!tpu.dma_semaphore, #tpu.memory_space<semaphore_mem>>) src(%arg14 : memref<16x1024xf32, #tpu.memory_space<vmem>>) dst(%dma_wait3A_153 : memref<16x1024xf32, #tpu.memory_space<hbm>>)
      %dma_wait3A_154 = arith.constant 1024 : i32
      %dma_wait3A_155 = tpu.memref_slice %arg8[%mul3A_22, %dma_wait3A_154] : memref<480x1536xf32, #tpu.memory_space<hbm>> -> memref<16x512xf32, #tpu.memory_space<hbm>>
      %dma_wait3A_156 = arith.constant 1024 : i32
      %dma_wait3A_157 = tpu.memref_slice %arg8[%mul3A_22, %dma_wait3A_156] : memref<480x1536xf32, #tpu.memory_space<hbm>> -> memref<16x512xf32, #tpu.memory_space<hbm>>
      tpu.wait_dma2 semaphore(%arg17 : memref<!tpu.dma_semaphore, #tpu.memory_space<semaphore_mem>>) src(%arg15 : memref<16x512xf32, #tpu.memory_space<vmem>>) dst(%dma_wait3A_157 : memref<16x512xf32, #tpu.memory_space<hbm>>)
      %dma_wait3A_158 = arith.constant 0 : i32
      %dma_wait3A_159 = tpu.memref_slice %arg9[%mul3A_22, %dma_wait3A_158] : memref<480x1536xf32, #tpu.memory_space<hbm>> -> memref<16x1024xf32, #tpu.memory_space<hbm>>
      %dma_wait3A_160 = arith.constant 0 : i32
      %dma_wait3A_161 = tpu.memref_slice %arg9[%mul3A_22, %dma_wait3A_160] : memref<480x1536xf32, #tpu.memory_space<hbm>> -> memref<16x1024xf32, #tpu.memory_space<hbm>>
      tpu.wait_dma2 semaphore(%arg17 : memref<!tpu.dma_semaphore, #tpu.memory_space<semaphore_mem>>) src(%arg14 : memref<16x1024xf32, #tpu.memory_space<vmem>>) dst(%dma_wait3A_161 : memref<16x1024xf32, #tpu.memory_space<hbm>>)
      %dma_wait3A_162 = arith.constant 1024 : i32
      %dma_wait3A_163 = tpu.memref_slice %arg9[%mul3A_22, %dma_wait3A_162] : memref<480x1536xf32, #tpu.memory_space<hbm>> -> memref<16x512xf32, #tpu.memory_space<hbm>>
      %dma_wait3A_164 = arith.constant 1024 : i32
      %dma_wait3A_165 = tpu.memref_slice %arg9[%mul3A_22, %dma_wait3A_164] : memref<480x1536xf32, #tpu.memory_space<hbm>> -> memref<16x512xf32, #tpu.memory_space<hbm>>
      tpu.wait_dma2 semaphore(%arg17 : memref<!tpu.dma_semaphore, #tpu.memory_space<semaphore_mem>>) src(%arg15 : memref<16x512xf32, #tpu.memory_space<vmem>>) dst(%dma_wait3A_165 : memref<16x512xf32, #tpu.memory_space<hbm>>)
      %dma_wait3A_166 = arith.constant 0 : i32
      %dma_wait3A_167 = tpu.memref_slice %arg10[%mul3A_22, %dma_wait3A_166] : memref<480x1536xf32, #tpu.memory_space<hbm>> -> memref<16x1024xf32, #tpu.memory_space<hbm>>
      %dma_wait3A_168 = arith.constant 0 : i32
      %dma_wait3A_169 = tpu.memref_slice %arg10[%mul3A_22, %dma_wait3A_168] : memref<480x1536xf32, #tpu.memory_space<hbm>> -> memref<16x1024xf32, #tpu.memory_space<hbm>>
      tpu.wait_dma2 semaphore(%arg17 : memref<!tpu.dma_semaphore, #tpu.memory_space<semaphore_mem>>) src(%arg14 : memref<16x1024xf32, #tpu.memory_space<vmem>>) dst(%dma_wait3A_169 : memref<16x1024xf32, #tpu.memory_space<hbm>>)
      %dma_wait3A_170 = arith.constant 1024 : i32
      %dma_wait3A_171 = tpu.memref_slice %arg10[%mul3A_22, %dma_wait3A_170] : memref<480x1536xf32, #tpu.memory_space<hbm>> -> memref<16x512xf32, #tpu.memory_space<hbm>>
      %dma_wait3A_172 = arith.constant 1024 : i32
      %dma_wait3A_173 = tpu.memref_slice %arg10[%mul3A_22, %dma_wait3A_172] : memref<480x1536xf32, #tpu.memory_space<hbm>> -> memref<16x512xf32, #tpu.memory_space<hbm>>
      tpu.wait_dma2 semaphore(%arg17 : memref<!tpu.dma_semaphore, #tpu.memory_space<semaphore_mem>>) src(%arg15 : memref<16x512xf32, #tpu.memory_space<vmem>>) dst(%dma_wait3A_173 : memref<16x512xf32, #tpu.memory_space<hbm>>)
    } else {
    }
    return
  }
}

module attributes {stable_mosaic.version = 14 : i64} {
  func.func @_mlp_mag_kernel(%arg0: i32, %arg1: memref<4x10x32x1024xf32, #tpu.memory_space<vmem>>, %arg2: memref<4x10x32x512xf32, #tpu.memory_space<vmem>>, %arg3: memref<1536x512xbf16, #tpu.memory_space<vmem>>, %arg4: memref<1x512xf32, #tpu.memory_space<vmem>>, %arg5: memref<512x128xf32, #tpu.memory_space<vmem>>, %arg6: memref<1x128xf32, #tpu.memory_space<vmem>>, %arg7: memref<128x1xf32, #tpu.memory_space<vmem>>, %arg8: memref<1x1xf32, #tpu.memory_space<vmem>>, %arg9: memref<4x32x1xf32, #tpu.memory_space<vmem>>, %arg10: memref<4x32x1xf32, #tpu.memory_space<vmem>>, %arg11: memref<4x1x3xi32, #tpu.memory_space<smem>>, %arg12: memref<4x1x1xf32, #tpu.memory_space<smem>>) attributes {dimension_semantics = [#tpu.dimension_semantics<arbitrary>], iteration_bounds = array<i64: 8>, scalar_prefetch = 0 : i64, scratch_operands = 0 : i64, tpu.core_type = #tpu.core_type<tc>, window_params = [{transform_indices = @transform_0, window_bounds = array<i64: 4, 10, 32, 1024>}, {transform_indices = @transform_1, window_bounds = array<i64: 4, 10, 32, 512>}, {pipeline_mode = #tpu.pipeline_mode<synchronous>, transform_indices = @transform_2, window_bounds = array<i64: 1536, 512>}, {pipeline_mode = #tpu.pipeline_mode<synchronous>, transform_indices = @transform_3, window_bounds = array<i64: 1, 512>}, {pipeline_mode = #tpu.pipeline_mode<synchronous>, transform_indices = @transform_4, window_bounds = array<i64: 512, 128>}, {pipeline_mode = #tpu.pipeline_mode<synchronous>, transform_indices = @transform_5, window_bounds = array<i64: 1, 128>}, {pipeline_mode = #tpu.pipeline_mode<synchronous>, transform_indices = @transform_6, window_bounds = array<i64: 128, 1>}, {pipeline_mode = #tpu.pipeline_mode<synchronous>, transform_indices = @transform_7, window_bounds = array<i64: 1, 1>}, {transform_indices = @transform_8, window_bounds = array<i64: 4, 32, 1>}, {transform_indices = @transform_9, window_bounds = array<i64: 4, 32, 1>}, {transform_indices = @transform_10, window_bounds = array<i64: 4, 1, 3>}, {transform_indices = @transform_11, window_bounds = array<i64: 4, 1, 1>}]} {
    %get3A = arith.constant 0 : index
    %get3A_0 = arith.constant 0 : index
    %get3A_1 = arith.constant 0 : index
    %get3A_2 = arith.constant 0 : index
    %get3A_3 = vector.load %arg1[%get3A, %get3A_0, %get3A_1, %get3A_2] : memref<4x10x32x1024xf32, #tpu.memory_space<vmem>>, vector<4x10x32x1024xf32>
    %reshape3A = vector.shape_cast %get3A_3 : vector<4x10x32x1024xf32> to vector<1280x1024xf32>
    %get3A_4 = arith.constant 0 : index
    %get3A_5 = arith.constant 0 : index
    %get3A_6 = arith.constant 0 : index
    %get3A_7 = arith.constant 0 : index
    %get3A_8 = vector.load %arg2[%get3A_4, %get3A_5, %get3A_6, %get3A_7] : memref<4x10x32x512xf32, #tpu.memory_space<vmem>>, vector<4x10x32x512xf32>
    %reshape3A_9 = vector.shape_cast %get3A_8 : vector<4x10x32x512xf32> to vector<1280x512xf32>
    %convert_element_type3A = arith.truncf %reshape3A : vector<1280x1024xf32> to vector<1280x1024xbf16>
    %get3A_10 = arith.constant 0 : index
    %get3A_11 = arith.constant 0 : index
    %get3A_12 = vector.load %arg3[%get3A_10, %get3A_11] : memref<1536x512xbf16, #tpu.memory_space<vmem>>, vector<1024x512xbf16>
    %dot_general3A = arith.constant dense<0.000000e+00> : vector<1280x512xf32>
    %dot_general3A_13 = tpu.matmul %convert_element_type3A, %get3A_12, %dot_general3A {dimension_numbers = #tpu.dot_dimension_numbers<[1], [0], [0], [1], [0, 0, 1, 1], [], []>, transpose_lhs_hint = false} : vector<1280x1024xbf16>, vector<1024x512xbf16>, vector<1280x512xf32> -> vector<1280x512xf32>
    %convert_element_type3A_14 = arith.truncf %reshape3A_9 : vector<1280x512xf32> to vector<1280x512xbf16>
    %get3A_15 = arith.constant 1024 : index
    %get3A_16 = arith.constant 0 : index
    %get3A_17 = vector.load %arg3[%get3A_15, %get3A_16] : memref<1536x512xbf16, #tpu.memory_space<vmem>>, vector<512x512xbf16>
    %dot_general3A_18 = arith.constant dense<0.000000e+00> : vector<1280x512xf32>
    %dot_general3A_19 = tpu.matmul %convert_element_type3A_14, %get3A_17, %dot_general3A_18 {dimension_numbers = #tpu.dot_dimension_numbers<[1], [0], [0], [1], [0, 0, 1, 1], [], []>, transpose_lhs_hint = false} : vector<1280x512xbf16>, vector<512x512xbf16>, vector<1280x512xf32> -> vector<1280x512xf32>
    %add3A = arith.addf %dot_general3A_13, %dot_general3A_19 : vector<1280x512xf32>
    %get3A_20 = arith.constant 0 : index
    %get3A_21 = arith.constant 0 : index
    %get3A_22 = vector.load %arg4[%get3A_20, %get3A_21] : memref<1x512xf32, #tpu.memory_space<vmem>>, vector<1x512xf32>
    %get3A_23 = vector.shape_cast %get3A_22 : vector<1x512xf32> to vector<512xf32>
    %broadcast_in_dim3A = vector.shape_cast %get3A_23 : vector<512xf32> to vector<1x512xf32>
    %add3A_24 = vector.broadcast %broadcast_in_dim3A : vector<1x512xf32> to vector<1280x512xf32>
    %add3A_25 = arith.addf %add3A, %add3A_24 : vector<1280x512xf32>
    %max3A = arith.constant 0.000000e+00 : f32
    %max3A_26 = vector.broadcast %max3A : f32 to vector<1280x512xf32>
    %max3A_27 = arith.maximumf %add3A_25, %max3A_26 : vector<1280x512xf32>
    %get3A_28 = arith.constant 0 : index
    %get3A_29 = arith.constant 0 : index
    %get3A_30 = vector.load %arg5[%get3A_28, %get3A_29] : memref<512x128xf32, #tpu.memory_space<vmem>>, vector<512x128xf32>
    %dot_general3A_31 = arith.constant dense<0.000000e+00> : vector<1280x128xf32>
    %dot_general3A_32 = tpu.matmul %max3A_27, %get3A_30, %dot_general3A_31 {dimension_numbers = #tpu.dot_dimension_numbers<[1], [0], [0], [1], [0, 0, 1, 1], [], []>, transpose_lhs_hint = false} : vector<1280x512xf32>, vector<512x128xf32>, vector<1280x128xf32> -> vector<1280x128xf32>
    %get3A_33 = arith.constant 0 : index
    %get3A_34 = arith.constant 0 : index
    %get3A_35 = vector.load %arg6[%get3A_33, %get3A_34] : memref<1x128xf32, #tpu.memory_space<vmem>>, vector<1x128xf32>
    %get3A_36 = vector.shape_cast %get3A_35 : vector<1x128xf32> to vector<128xf32>
    %broadcast_in_dim3A_37 = vector.shape_cast %get3A_36 : vector<128xf32> to vector<1x128xf32>
    %add3A_38 = vector.broadcast %broadcast_in_dim3A_37 : vector<1x128xf32> to vector<1280x128xf32>
    %add3A_39 = arith.addf %dot_general3A_32, %add3A_38 : vector<1280x128xf32>
    %max3A_40 = arith.constant 0.000000e+00 : f32
    %max3A_41 = vector.broadcast %max3A_40 : f32 to vector<1280x128xf32>
    %max3A_42 = arith.maximumf %add3A_39, %max3A_41 : vector<1280x128xf32>
    %get3A_43 = arith.constant 0 : index
    %get3A_44 = arith.constant 0 : index
    %get3A_45 = vector.load %arg7[%get3A_43, %get3A_44] : memref<128x1xf32, #tpu.memory_space<vmem>>, vector<128x1xf32>
    %dot_general3A_46 = arith.constant dense<0.000000e+00> : vector<1280x1xf32>
    %dot_general3A_47 = tpu.matmul %max3A_42, %get3A_45, %dot_general3A_46 {dimension_numbers = #tpu.dot_dimension_numbers<[1], [0], [0], [1], [0, 0, 1, 1], [], []>, transpose_lhs_hint = false} : vector<1280x128xf32>, vector<128x1xf32>, vector<1280x1xf32> -> vector<1280x1xf32>
    %get3A_48 = arith.constant 0 : index
    %get3A_49 = arith.constant 0 : index
    %get3A_50 = vector.load %arg8[%get3A_48, %get3A_49] : memref<1x1xf32, #tpu.memory_space<vmem>>, vector<1x1xf32>
    %get3A_51 = vector.shape_cast %get3A_50 : vector<1x1xf32> to vector<1xf32>
    %broadcast_in_dim3A_52 = vector.shape_cast %get3A_51 : vector<1xf32> to vector<1x1xf32>
    %add3A_53 = vector.broadcast %broadcast_in_dim3A_52 : vector<1x1xf32> to vector<1280x1xf32>
    %add3A_54 = arith.addf %dot_general3A_47, %add3A_53 : vector<1280x1xf32>
    %logistic3A = arith.negf %add3A_54 : vector<1280x1xf32>
    %logistic3A_55 = math.exp %logistic3A : vector<1280x1xf32>
    %logistic3A_56 = arith.constant 1.000000e+00 : f32
    %logistic3A_57 = vector.broadcast %logistic3A_56 : f32 to vector<1280x1xf32>
    %logistic3A_58 = arith.addf %logistic3A_57, %logistic3A_55 : vector<1280x1xf32>
    %logistic3A_59 = arith.divf %logistic3A_57, %logistic3A_58 : vector<1280x1xf32>
    %reshape3A_60 = vector.shape_cast %logistic3A_59 : vector<1280x1xf32> to vector<4x10x32x1xf32>
    %reduce_sum3A = arith.constant dense<0.000000e+00> : vector<4x32x1xf32>
    %reduce_sum3A_61 = vector.multi_reduction <add>, %reshape3A_60, %reduce_sum3A [1] : vector<4x10x32x1xf32> to vector<4x32x1xf32>
    %div3A = arith.constant 1.000000e+01 : f32
    %div3A_62 = vector.broadcast %div3A : f32 to vector<4x32x1xf32>
    %div3A_63 = arith.divf %reduce_sum3A_61, %div3A_62 : vector<4x32x1xf32>
    %swap3A = arith.constant 0 : index
    %swap3A_64 = arith.constant 0 : index
    %swap3A_65 = arith.constant 0 : index
    %swap3A_66 = vector.load %arg9[%swap3A, %swap3A_64, %swap3A_65] : memref<4x32x1xf32, #tpu.memory_space<vmem>>, vector<4x32x1xf32>
    tpu.vector_store %arg9[%swap3A, %swap3A_64, %swap3A_65], %div3A_63 {strides = array<i32>} : memref<4x32x1xf32, #tpu.memory_space<vmem>>, vector<4x32x1xf32>,
    %mul3A = arith.mulf %reshape3A, %reshape3A : vector<1280x1024xf32>
    %reduce_sum3A_67 = arith.constant dense<0.000000e+00> : vector<1280xf32>
    %reduce_sum3A_68 = vector.multi_reduction <add>, %mul3A, %reduce_sum3A_67 [1] : vector<1280x1024xf32> to vector<1280xf32>
    %broadcast_in_dim3A_69 = vector.shape_cast %reduce_sum3A_68 : vector<1280xf32> to vector<1280x1xf32>
    %mul3A_70 = arith.mulf %reshape3A_9, %reshape3A_9 : vector<1280x512xf32>
    %reduce_sum3A_71 = arith.constant dense<0.000000e+00> : vector<1280xf32>
    %reduce_sum3A_72 = vector.multi_reduction <add>, %mul3A_70, %reduce_sum3A_71 [1] : vector<1280x512xf32> to vector<1280xf32>
    %broadcast_in_dim3A_73 = vector.shape_cast %reduce_sum3A_72 : vector<1280xf32> to vector<1280x1xf32>
    %add3A_74 = arith.addf %broadcast_in_dim3A_69, %broadcast_in_dim3A_73 : vector<1280x1xf32>
    %sqrt3A = math.sqrt %add3A_74 : vector<1280x1xf32>
    %reshape3A_75 = vector.shape_cast %sqrt3A : vector<1280x1xf32> to vector<4x10x32x1xf32>
    %reduce_sum3A_76 = arith.constant dense<0.000000e+00> : vector<4x32x1xf32>
    %reduce_sum3A_77 = vector.multi_reduction <add>, %reshape3A_75, %reduce_sum3A_76 [1] : vector<4x10x32x1xf32> to vector<4x32x1xf32>
    %div3A_78 = arith.constant 1.000000e+01 : f32
    %div3A_79 = vector.broadcast %div3A_78 : f32 to vector<4x32x1xf32>
    %div3A_80 = arith.divf %reduce_sum3A_77, %div3A_79 : vector<4x32x1xf32>
    %swap3A_81 = arith.constant 0 : index
    %swap3A_82 = arith.constant 0 : index
    %swap3A_83 = arith.constant 0 : index
    %swap3A_84 = vector.load %arg10[%swap3A_81, %swap3A_82, %swap3A_83] : memref<4x32x1xf32, #tpu.memory_space<vmem>>, vector<4x32x1xf32>
    tpu.vector_store %arg10[%swap3A_81, %swap3A_82, %swap3A_83], %div3A_80 {strides = array<i32>} : memref<4x32x1xf32, #tpu.memory_space<vmem>>, vector<4x32x1xf32>,
    %iota3A = tpu.iota {dimensions = array<i32: 0>} : vector<32x1xi32>
    %slice3A = vector.extract_strided_slice %div3A_80 {offsets = [0, 0, 0], sizes = [1, 32, 1], strides = [1, 1, 1]} : vector<4x32x1xf32> to vector<1x32x1xf32>
    %squeeze3A = vector.shape_cast %slice3A : vector<1x32x1xf32> to vector<32x1xf32>
    %slice3A_85 = vector.extract_strided_slice %div3A_63 {offsets = [0, 0, 0], sizes = [1, 32, 1], strides = [1, 1, 1]} : vector<4x32x1xf32> to vector<1x32x1xf32>
    %squeeze3A_86 = vector.shape_cast %slice3A_85 : vector<1x32x1xf32> to vector<32x1xf32>
    %reduce_max3A = vector.shape_cast %squeeze3A : vector<32x1xf32> to vector<1x32x1xf32>
    %reduce_max3A_87 = arith.constant dense<0xFF800000> : vector<1xf32>
    %reduce_max3A_88 = vector.multi_reduction <maximumf>, %reduce_max3A, %reduce_max3A_87 [1, 2] : vector<1x32x1xf32> to vector<1xf32>
    %reduce_max3A_89 = vector.shape_cast %reduce_max3A_88 : vector<1xf32> to vector<1x1x1xf32>
    %reduce_max3A_90 = vector.extract %reduce_max3A_89[0, 0, 0] : f32 from vector<1x1x1xf32>
    %eq3A = vector.broadcast %reduce_max3A_90 : f32 to vector<32x1xf32>
    %eq3A_91 = arith.cmpf oeq, %squeeze3A, %eq3A : vector<32x1xf32>
    %jit3A = arith.constant 32 : i32
    %broadcast_in_dim3A_92 = vector.broadcast %jit3A : i32 to vector<32x1xi32>
    %select_n3A = arith.select %eq3A_91, %iota3A, %broadcast_in_dim3A_92 : vector<32x1xi1>, vector<32x1xi32>
    %reduce_min3A = vector.shape_cast %select_n3A : vector<32x1xi32> to vector<1x32x1xi32>
    %reduce_min3A_93 = arith.constant dense<2147483647> : vector<1xi32>
    %reduce_min3A_94 = vector.multi_reduction <minsi>, %reduce_min3A, %reduce_min3A_93 [1, 2] : vector<1x32x1xi32> to vector<1xi32>
    %reduce_min3A_95 = vector.shape_cast %reduce_min3A_94 : vector<1xi32> to vector<1x1x1xi32>
    %reduce_min3A_96 = vector.extract %reduce_min3A_95[0, 0, 0] : i32 from vector<1x1x1xi32>
    %swap3A_97 = arith.constant 0 : index
    %swap3A_98 = arith.constant 0 : index
    %swap3A_99 = arith.constant 0 : index
    %swap3A_100 = memref.load %arg11[%swap3A_97, %swap3A_98, %swap3A_99] : memref<4x1x3xi32, #tpu.memory_space<smem>>
    memref.store %reduce_min3A_96, %arg11[%swap3A_97, %swap3A_98, %swap3A_99] : memref<4x1x3xi32, #tpu.memory_space<smem>>
    %eq3A_101 = vector.broadcast %reduce_min3A_96 : i32 to vector<32x1xi32>
    %eq3A_102 = arith.cmpi eq, %iota3A, %eq3A_101 : vector<32x1xi32>
    %jit3A_103 = arith.constant 0.000000e+00 : f32
    %broadcast_in_dim3A_104 = vector.broadcast %jit3A_103 : f32 to vector<32x1xf32>
    %select_n3A_105 = arith.select %eq3A_102, %squeeze3A_86, %broadcast_in_dim3A_104 : vector<32x1xi1>, vector<32x1xf32>
    %reduce_sum3A_106 = vector.shape_cast %select_n3A_105 : vector<32x1xf32> to vector<1x32x1xf32>
    %reduce_sum3A_107 = arith.constant dense<0.000000e+00> : vector<1xf32>
    %reduce_sum3A_108 = vector.multi_reduction <add>, %reduce_sum3A_106, %reduce_sum3A_107 [1, 2] : vector<1x32x1xf32> to vector<1xf32>
    %reduce_sum3A_109 = vector.shape_cast %reduce_sum3A_108 : vector<1xf32> to vector<1x1x1xf32>
    %reduce_sum3A_110 = vector.extract %reduce_sum3A_109[0, 0, 0] : f32 from vector<1x1x1xf32>
    %add3A_111 = arith.constant 0.000000e+00 : f32
    %add3A_112 = arith.addf %add3A_111, %reduce_sum3A_110 : f32
    %jit3A_113 = arith.constant 0xFF800000 : f32
    %broadcast_in_dim3A_114 = vector.broadcast %jit3A_113 : f32 to vector<32x1xf32>
    %select_n3A_115 = arith.select %eq3A_102, %broadcast_in_dim3A_114, %squeeze3A : vector<32x1xi1>, vector<32x1xf32>
    %reduce_max3A_116 = vector.shape_cast %select_n3A_115 : vector<32x1xf32> to vector<1x32x1xf32>
    %reduce_max3A_117 = arith.constant dense<0xFF800000> : vector<1xf32>
    %reduce_max3A_118 = vector.multi_reduction <maximumf>, %reduce_max3A_116, %reduce_max3A_117 [1, 2] : vector<1x32x1xf32> to vector<1xf32>
    %reduce_max3A_119 = vector.shape_cast %reduce_max3A_118 : vector<1xf32> to vector<1x1x1xf32>
    %reduce_max3A_120 = vector.extract %reduce_max3A_119[0, 0, 0] : f32 from vector<1x1x1xf32>
    %eq3A_121 = vector.broadcast %reduce_max3A_120 : f32 to vector<32x1xf32>
    %eq3A_122 = arith.cmpf oeq, %select_n3A_115, %eq3A_121 : vector<32x1xf32>
    %jit3A_123 = arith.constant 32 : i32
    %broadcast_in_dim3A_124 = vector.broadcast %jit3A_123 : i32 to vector<32x1xi32>
    %select_n3A_125 = arith.select %eq3A_122, %iota3A, %broadcast_in_dim3A_124 : vector<32x1xi1>, vector<32x1xi32>
    %reduce_min3A_126 = vector.shape_cast %select_n3A_125 : vector<32x1xi32> to vector<1x32x1xi32>
    %reduce_min3A_127 = arith.constant dense<2147483647> : vector<1xi32>
    %reduce_min3A_128 = vector.multi_reduction <minsi>, %reduce_min3A_126, %reduce_min3A_127 [1, 2] : vector<1x32x1xi32> to vector<1xi32>
    %reduce_min3A_129 = vector.shape_cast %reduce_min3A_128 : vector<1xi32> to vector<1x1x1xi32>
    %reduce_min3A_130 = vector.extract %reduce_min3A_129[0, 0, 0] : i32 from vector<1x1x1xi32>
    %swap3A_131 = arith.constant 0 : index
    %swap3A_132 = arith.constant 0 : index
    %swap3A_133 = arith.constant 1 : index
    %swap3A_134 = memref.load %arg11[%swap3A_131, %swap3A_132, %swap3A_133] : memref<4x1x3xi32, #tpu.memory_space<smem>>
    memref.store %reduce_min3A_130, %arg11[%swap3A_131, %swap3A_132, %swap3A_133] : memref<4x1x3xi32, #tpu.memory_space<smem>>
    %eq3A_135 = vector.broadcast %reduce_min3A_130 : i32 to vector<32x1xi32>
    %eq3A_136 = arith.cmpi eq, %iota3A, %eq3A_135 : vector<32x1xi32>
    %jit3A_137 = arith.constant 0.000000e+00 : f32
    %broadcast_in_dim3A_138 = vector.broadcast %jit3A_137 : f32 to vector<32x1xf32>
    %select_n3A_139 = arith.select %eq3A_136, %squeeze3A_86, %broadcast_in_dim3A_138 : vector<32x1xi1>, vector<32x1xf32>
    %reduce_sum3A_140 = vector.shape_cast %select_n3A_139 : vector<32x1xf32> to vector<1x32x1xf32>
    %reduce_sum3A_141 = arith.constant dense<0.000000e+00> : vector<1xf32>
    %reduce_sum3A_142 = vector.multi_reduction <add>, %reduce_sum3A_140, %reduce_sum3A_141 [1, 2] : vector<1x32x1xf32> to vector<1xf32>
    %reduce_sum3A_143 = vector.shape_cast %reduce_sum3A_142 : vector<1xf32> to vector<1x1x1xf32>
    %reduce_sum3A_144 = vector.extract %reduce_sum3A_143[0, 0, 0] : f32 from vector<1x1x1xf32>
    %add3A_145 = arith.addf %add3A_112, %reduce_sum3A_144 : f32
    %jit3A_146 = arith.constant 0xFF800000 : f32
    %broadcast_in_dim3A_147 = vector.broadcast %jit3A_146 : f32 to vector<32x1xf32>
    %select_n3A_148 = arith.select %eq3A_136, %broadcast_in_dim3A_147, %select_n3A_115 : vector<32x1xi1>, vector<32x1xf32>
    %reduce_max3A_149 = vector.shape_cast %select_n3A_148 : vector<32x1xf32> to vector<1x32x1xf32>
    %reduce_max3A_150 = arith.constant dense<0xFF800000> : vector<1xf32>
    %reduce_max3A_151 = vector.multi_reduction <maximumf>, %reduce_max3A_149, %reduce_max3A_150 [1, 2] : vector<1x32x1xf32> to vector<1xf32>
    %reduce_max3A_152 = vector.shape_cast %reduce_max3A_151 : vector<1xf32> to vector<1x1x1xf32>
    %reduce_max3A_153 = vector.extract %reduce_max3A_152[0, 0, 0] : f32 from vector<1x1x1xf32>
    %eq3A_154 = vector.broadcast %reduce_max3A_153 : f32 to vector<32x1xf32>
    %eq3A_155 = arith.cmpf oeq, %select_n3A_148, %eq3A_154 : vector<32x1xf32>
    %jit3A_156 = arith.constant 32 : i32
    %broadcast_in_dim3A_157 = vector.broadcast %jit3A_156 : i32 to vector<32x1xi32>
    %select_n3A_158 = arith.select %eq3A_155, %iota3A, %broadcast_in_dim3A_157 : vector<32x1xi1>, vector<32x1xi32>
    %reduce_min3A_159 = vector.shape_cast %select_n3A_158 : vector<32x1xi32> to vector<1x32x1xi32>
    %reduce_min3A_160 = arith.constant dense<2147483647> : vector<1xi32>
    %reduce_min3A_161 = vector.multi_reduction <minsi>, %reduce_min3A_159, %reduce_min3A_160 [1, 2] : vector<1x32x1xi32> to vector<1xi32>
    %reduce_min3A_162 = vector.shape_cast %reduce_min3A_161 : vector<1xi32> to vector<1x1x1xi32>
    %reduce_min3A_163 = vector.extract %reduce_min3A_162[0, 0, 0] : i32 from vector<1x1x1xi32>
    %swap3A_164 = arith.constant 0 : index
    %swap3A_165 = arith.constant 0 : index
    %swap3A_166 = arith.constant 2 : index
    %swap3A_167 = memref.load %arg11[%swap3A_164, %swap3A_165, %swap3A_166] : memref<4x1x3xi32, #tpu.memory_space<smem>>
    memref.store %reduce_min3A_163, %arg11[%swap3A_164, %swap3A_165, %swap3A_166] : memref<4x1x3xi32, #tpu.memory_space<smem>>
    %eq3A_168 = vector.broadcast %reduce_min3A_163 : i32 to vector<32x1xi32>
    %eq3A_169 = arith.cmpi eq, %iota3A, %eq3A_168 : vector<32x1xi32>
    %jit3A_170 = arith.constant 0.000000e+00 : f32
    %broadcast_in_dim3A_171 = vector.broadcast %jit3A_170 : f32 to vector<32x1xf32>
    %select_n3A_172 = arith.select %eq3A_169, %squeeze3A_86, %broadcast_in_dim3A_171 : vector<32x1xi1>, vector<32x1xf32>
    %reduce_sum3A_173 = vector.shape_cast %select_n3A_172 : vector<32x1xf32> to vector<1x32x1xf32>
    %reduce_sum3A_174 = arith.constant dense<0.000000e+00> : vector<1xf32>
    %reduce_sum3A_175 = vector.multi_reduction <add>, %reduce_sum3A_173, %reduce_sum3A_174 [1, 2] : vector<1x32x1xf32> to vector<1xf32>
    %reduce_sum3A_176 = vector.shape_cast %reduce_sum3A_175 : vector<1xf32> to vector<1x1x1xf32>
    %reduce_sum3A_177 = vector.extract %reduce_sum3A_176[0, 0, 0] : f32 from vector<1x1x1xf32>
    %add3A_178 = arith.addf %add3A_145, %reduce_sum3A_177 : f32
    %mul3A_179 = arith.constant 0.333333343 : f32
    %mul3A_180 = arith.mulf %add3A_178, %mul3A_179 : f32
    %swap3A_181 = arith.constant 0 : index
    %swap3A_182 = arith.constant 0 : index
    %swap3A_183 = arith.constant 0 : index
    %swap3A_184 = memref.load %arg12[%swap3A_181, %swap3A_182, %swap3A_183] : memref<4x1x1xf32, #tpu.memory_space<smem>>
    memref.store %mul3A_180, %arg12[%swap3A_181, %swap3A_182, %swap3A_183] : memref<4x1x1xf32, #tpu.memory_space<smem>>
    %slice3A_185 = vector.extract_strided_slice %div3A_80 {offsets = [1, 0, 0], sizes = [1, 32, 1], strides = [1, 1, 1]} : vector<4x32x1xf32> to vector<1x32x1xf32>
    %squeeze3A_186 = vector.shape_cast %slice3A_185 : vector<1x32x1xf32> to vector<32x1xf32>
    %slice3A_187 = vector.extract_strided_slice %div3A_63 {offsets = [1, 0, 0], sizes = [1, 32, 1], strides = [1, 1, 1]} : vector<4x32x1xf32> to vector<1x32x1xf32>
    %squeeze3A_188 = vector.shape_cast %slice3A_187 : vector<1x32x1xf32> to vector<32x1xf32>
    %reduce_max3A_189 = vector.shape_cast %squeeze3A_186 : vector<32x1xf32> to vector<1x32x1xf32>
    %reduce_max3A_190 = arith.constant dense<0xFF800000> : vector<1xf32>
    %reduce_max3A_191 = vector.multi_reduction <maximumf>, %reduce_max3A_189, %reduce_max3A_190 [1, 2] : vector<1x32x1xf32> to vector<1xf32>
    %reduce_max3A_192 = vector.shape_cast %reduce_max3A_191 : vector<1xf32> to vector<1x1x1xf32>
    %reduce_max3A_193 = vector.extract %reduce_max3A_192[0, 0, 0] : f32 from vector<1x1x1xf32>
    %eq3A_194 = vector.broadcast %reduce_max3A_193 : f32 to vector<32x1xf32>
    %eq3A_195 = arith.cmpf oeq, %squeeze3A_186, %eq3A_194 : vector<32x1xf32>
    %jit3A_196 = arith.constant 32 : i32
    %broadcast_in_dim3A_197 = vector.broadcast %jit3A_196 : i32 to vector<32x1xi32>
    %select_n3A_198 = arith.select %eq3A_195, %iota3A, %broadcast_in_dim3A_197 : vector<32x1xi1>, vector<32x1xi32>
    %reduce_min3A_199 = vector.shape_cast %select_n3A_198 : vector<32x1xi32> to vector<1x32x1xi32>
    %reduce_min3A_200 = arith.constant dense<2147483647> : vector<1xi32>
    %reduce_min3A_201 = vector.multi_reduction <minsi>, %reduce_min3A_199, %reduce_min3A_200 [1, 2] : vector<1x32x1xi32> to vector<1xi32>
    %reduce_min3A_202 = vector.shape_cast %reduce_min3A_201 : vector<1xi32> to vector<1x1x1xi32>
    %reduce_min3A_203 = vector.extract %reduce_min3A_202[0, 0, 0] : i32 from vector<1x1x1xi32>
    %swap3A_204 = arith.constant 1 : index
    %swap3A_205 = arith.constant 0 : index
    %swap3A_206 = arith.constant 0 : index
    %swap3A_207 = memref.load %arg11[%swap3A_204, %swap3A_205, %swap3A_206] : memref<4x1x3xi32, #tpu.memory_space<smem>>
    memref.store %reduce_min3A_203, %arg11[%swap3A_204, %swap3A_205, %swap3A_206] : memref<4x1x3xi32, #tpu.memory_space<smem>>
    %eq3A_208 = vector.broadcast %reduce_min3A_203 : i32 to vector<32x1xi32>
    %eq3A_209 = arith.cmpi eq, %iota3A, %eq3A_208 : vector<32x1xi32>
    %jit3A_210 = arith.constant 0.000000e+00 : f32
    %broadcast_in_dim3A_211 = vector.broadcast %jit3A_210 : f32 to vector<32x1xf32>
    %select_n3A_212 = arith.select %eq3A_209, %squeeze3A_188, %broadcast_in_dim3A_211 : vector<32x1xi1>, vector<32x1xf32>
    %reduce_sum3A_213 = vector.shape_cast %select_n3A_212 : vector<32x1xf32> to vector<1x32x1xf32>
    %reduce_sum3A_214 = arith.constant dense<0.000000e+00> : vector<1xf32>
    %reduce_sum3A_215 = vector.multi_reduction <add>, %reduce_sum3A_213, %reduce_sum3A_214 [1, 2] : vector<1x32x1xf32> to vector<1xf32>
    %reduce_sum3A_216 = vector.shape_cast %reduce_sum3A_215 : vector<1xf32> to vector<1x1x1xf32>
    %reduce_sum3A_217 = vector.extract %reduce_sum3A_216[0, 0, 0] : f32 from vector<1x1x1xf32>
    %add3A_218 = arith.constant 0.000000e+00 : f32
    %add3A_219 = arith.addf %add3A_218, %reduce_sum3A_217 : f32
    %jit3A_220 = arith.constant 0xFF800000 : f32
    %broadcast_in_dim3A_221 = vector.broadcast %jit3A_220 : f32 to vector<32x1xf32>
    %select_n3A_222 = arith.select %eq3A_209, %broadcast_in_dim3A_221, %squeeze3A_186 : vector<32x1xi1>, vector<32x1xf32>
    %reduce_max3A_223 = vector.shape_cast %select_n3A_222 : vector<32x1xf32> to vector<1x32x1xf32>
    %reduce_max3A_224 = arith.constant dense<0xFF800000> : vector<1xf32>
    %reduce_max3A_225 = vector.multi_reduction <maximumf>, %reduce_max3A_223, %reduce_max3A_224 [1, 2] : vector<1x32x1xf32> to vector<1xf32>
    %reduce_max3A_226 = vector.shape_cast %reduce_max3A_225 : vector<1xf32> to vector<1x1x1xf32>
    %reduce_max3A_227 = vector.extract %reduce_max3A_226[0, 0, 0] : f32 from vector<1x1x1xf32>
    %eq3A_228 = vector.broadcast %reduce_max3A_227 : f32 to vector<32x1xf32>
    %eq3A_229 = arith.cmpf oeq, %select_n3A_222, %eq3A_228 : vector<32x1xf32>
    %jit3A_230 = arith.constant 32 : i32
    %broadcast_in_dim3A_231 = vector.broadcast %jit3A_230 : i32 to vector<32x1xi32>
    %select_n3A_232 = arith.select %eq3A_229, %iota3A, %broadcast_in_dim3A_231 : vector<32x1xi1>, vector<32x1xi32>
    %reduce_min3A_233 = vector.shape_cast %select_n3A_232 : vector<32x1xi32> to vector<1x32x1xi32>
    %reduce_min3A_234 = arith.constant dense<2147483647> : vector<1xi32>
    %reduce_min3A_235 = vector.multi_reduction <minsi>, %reduce_min3A_233, %reduce_min3A_234 [1, 2] : vector<1x32x1xi32> to vector<1xi32>
    %reduce_min3A_236 = vector.shape_cast %reduce_min3A_235 : vector<1xi32> to vector<1x1x1xi32>
    %reduce_min3A_237 = vector.extract %reduce_min3A_236[0, 0, 0] : i32 from vector<1x1x1xi32>
    %swap3A_238 = arith.constant 1 : index
    %swap3A_239 = arith.constant 0 : index
    %swap3A_240 = arith.constant 1 : index
    %swap3A_241 = memref.load %arg11[%swap3A_238, %swap3A_239, %swap3A_240] : memref<4x1x3xi32, #tpu.memory_space<smem>>
    memref.store %reduce_min3A_237, %arg11[%swap3A_238, %swap3A_239, %swap3A_240] : memref<4x1x3xi32, #tpu.memory_space<smem>>
    %eq3A_242 = vector.broadcast %reduce_min3A_237 : i32 to vector<32x1xi32>
    %eq3A_243 = arith.cmpi eq, %iota3A, %eq3A_242 : vector<32x1xi32>
    %jit3A_244 = arith.constant 0.000000e+00 : f32
    %broadcast_in_dim3A_245 = vector.broadcast %jit3A_244 : f32 to vector<32x1xf32>
    %select_n3A_246 = arith.select %eq3A_243, %squeeze3A_188, %broadcast_in_dim3A_245 : vector<32x1xi1>, vector<32x1xf32>
    %reduce_sum3A_247 = vector.shape_cast %select_n3A_246 : vector<32x1xf32> to vector<1x32x1xf32>
    %reduce_sum3A_248 = arith.constant dense<0.000000e+00> : vector<1xf32>
    %reduce_sum3A_249 = vector.multi_reduction <add>, %reduce_sum3A_247, %reduce_sum3A_248 [1, 2] : vector<1x32x1xf32> to vector<1xf32>
    %reduce_sum3A_250 = vector.shape_cast %reduce_sum3A_249 : vector<1xf32> to vector<1x1x1xf32>
    %reduce_sum3A_251 = vector.extract %reduce_sum3A_250[0, 0, 0] : f32 from vector<1x1x1xf32>
    %add3A_252 = arith.addf %add3A_219, %reduce_sum3A_251 : f32
    %jit3A_253 = arith.constant 0xFF800000 : f32
    %broadcast_in_dim3A_254 = vector.broadcast %jit3A_253 : f32 to vector<32x1xf32>
    %select_n3A_255 = arith.select %eq3A_243, %broadcast_in_dim3A_254, %select_n3A_222 : vector<32x1xi1>, vector<32x1xf32>
    %reduce_max3A_256 = vector.shape_cast %select_n3A_255 : vector<32x1xf32> to vector<1x32x1xf32>
    %reduce_max3A_257 = arith.constant dense<0xFF800000> : vector<1xf32>
    %reduce_max3A_258 = vector.multi_reduction <maximumf>, %reduce_max3A_256, %reduce_max3A_257 [1, 2] : vector<1x32x1xf32> to vector<1xf32>
    %reduce_max3A_259 = vector.shape_cast %reduce_max3A_258 : vector<1xf32> to vector<1x1x1xf32>
    %reduce_max3A_260 = vector.extract %reduce_max3A_259[0, 0, 0] : f32 from vector<1x1x1xf32>
    %eq3A_261 = vector.broadcast %reduce_max3A_260 : f32 to vector<32x1xf32>
    %eq3A_262 = arith.cmpf oeq, %select_n3A_255, %eq3A_261 : vector<32x1xf32>
    %jit3A_263 = arith.constant 32 : i32
    %broadcast_in_dim3A_264 = vector.broadcast %jit3A_263 : i32 to vector<32x1xi32>
    %select_n3A_265 = arith.select %eq3A_262, %iota3A, %broadcast_in_dim3A_264 : vector<32x1xi1>, vector<32x1xi32>
    %reduce_min3A_266 = vector.shape_cast %select_n3A_265 : vector<32x1xi32> to vector<1x32x1xi32>
    %reduce_min3A_267 = arith.constant dense<2147483647> : vector<1xi32>
    %reduce_min3A_268 = vector.multi_reduction <minsi>, %reduce_min3A_266, %reduce_min3A_267 [1, 2] : vector<1x32x1xi32> to vector<1xi32>
    %reduce_min3A_269 = vector.shape_cast %reduce_min3A_268 : vector<1xi32> to vector<1x1x1xi32>
    %reduce_min3A_270 = vector.extract %reduce_min3A_269[0, 0, 0] : i32 from vector<1x1x1xi32>
    %swap3A_271 = arith.constant 1 : index
    %swap3A_272 = arith.constant 0 : index
    %swap3A_273 = arith.constant 2 : index
    %swap3A_274 = memref.load %arg11[%swap3A_271, %swap3A_272, %swap3A_273] : memref<4x1x3xi32, #tpu.memory_space<smem>>
    memref.store %reduce_min3A_270, %arg11[%swap3A_271, %swap3A_272, %swap3A_273] : memref<4x1x3xi32, #tpu.memory_space<smem>>
    %eq3A_275 = vector.broadcast %reduce_min3A_270 : i32 to vector<32x1xi32>
    %eq3A_276 = arith.cmpi eq, %iota3A, %eq3A_275 : vector<32x1xi32>
    %jit3A_277 = arith.constant 0.000000e+00 : f32
    %broadcast_in_dim3A_278 = vector.broadcast %jit3A_277 : f32 to vector<32x1xf32>
    %select_n3A_279 = arith.select %eq3A_276, %squeeze3A_188, %broadcast_in_dim3A_278 : vector<32x1xi1>, vector<32x1xf32>
    %reduce_sum3A_280 = vector.shape_cast %select_n3A_279 : vector<32x1xf32> to vector<1x32x1xf32>
    %reduce_sum3A_281 = arith.constant dense<0.000000e+00> : vector<1xf32>
    %reduce_sum3A_282 = vector.multi_reduction <add>, %reduce_sum3A_280, %reduce_sum3A_281 [1, 2] : vector<1x32x1xf32> to vector<1xf32>
    %reduce_sum3A_283 = vector.shape_cast %reduce_sum3A_282 : vector<1xf32> to vector<1x1x1xf32>
    %reduce_sum3A_284 = vector.extract %reduce_sum3A_283[0, 0, 0] : f32 from vector<1x1x1xf32>
    %add3A_285 = arith.addf %add3A_252, %reduce_sum3A_284 : f32
    %mul3A_286 = arith.constant 0.333333343 : f32
    %mul3A_287 = arith.mulf %add3A_285, %mul3A_286 : f32
    %swap3A_288 = arith.constant 1 : index
    %swap3A_289 = arith.constant 0 : index
    %swap3A_290 = arith.constant 0 : index
    %swap3A_291 = memref.load %arg12[%swap3A_288, %swap3A_289, %swap3A_290] : memref<4x1x1xf32, #tpu.memory_space<smem>>
    memref.store %mul3A_287, %arg12[%swap3A_288, %swap3A_289, %swap3A_290] : memref<4x1x1xf32, #tpu.memory_space<smem>>
    %slice3A_292 = vector.extract_strided_slice %div3A_80 {offsets = [2, 0, 0], sizes = [1, 32, 1], strides = [1, 1, 1]} : vector<4x32x1xf32> to vector<1x32x1xf32>
    %squeeze3A_293 = vector.shape_cast %slice3A_292 : vector<1x32x1xf32> to vector<32x1xf32>
    %slice3A_294 = vector.extract_strided_slice %div3A_63 {offsets = [2, 0, 0], sizes = [1, 32, 1], strides = [1, 1, 1]} : vector<4x32x1xf32> to vector<1x32x1xf32>
    %squeeze3A_295 = vector.shape_cast %slice3A_294 : vector<1x32x1xf32> to vector<32x1xf32>
    %reduce_max3A_296 = vector.shape_cast %squeeze3A_293 : vector<32x1xf32> to vector<1x32x1xf32>
    %reduce_max3A_297 = arith.constant dense<0xFF800000> : vector<1xf32>
    %reduce_max3A_298 = vector.multi_reduction <maximumf>, %reduce_max3A_296, %reduce_max3A_297 [1, 2] : vector<1x32x1xf32> to vector<1xf32>
    %reduce_max3A_299 = vector.shape_cast %reduce_max3A_298 : vector<1xf32> to vector<1x1x1xf32>
    %reduce_max3A_300 = vector.extract %reduce_max3A_299[0, 0, 0] : f32 from vector<1x1x1xf32>
    %eq3A_301 = vector.broadcast %reduce_max3A_300 : f32 to vector<32x1xf32>
    %eq3A_302 = arith.cmpf oeq, %squeeze3A_293, %eq3A_301 : vector<32x1xf32>
    %jit3A_303 = arith.constant 32 : i32
    %broadcast_in_dim3A_304 = vector.broadcast %jit3A_303 : i32 to vector<32x1xi32>
    %select_n3A_305 = arith.select %eq3A_302, %iota3A, %broadcast_in_dim3A_304 : vector<32x1xi1>, vector<32x1xi32>
    %reduce_min3A_306 = vector.shape_cast %select_n3A_305 : vector<32x1xi32> to vector<1x32x1xi32>
    %reduce_min3A_307 = arith.constant dense<2147483647> : vector<1xi32>
    %reduce_min3A_308 = vector.multi_reduction <minsi>, %reduce_min3A_306, %reduce_min3A_307 [1, 2] : vector<1x32x1xi32> to vector<1xi32>
    %reduce_min3A_309 = vector.shape_cast %reduce_min3A_308 : vector<1xi32> to vector<1x1x1xi32>
    %reduce_min3A_310 = vector.extract %reduce_min3A_309[0, 0, 0] : i32 from vector<1x1x1xi32>
    %swap3A_311 = arith.constant 2 : index
    %swap3A_312 = arith.constant 0 : index
    %swap3A_313 = arith.constant 0 : index
    %swap3A_314 = memref.load %arg11[%swap3A_311, %swap3A_312, %swap3A_313] : memref<4x1x3xi32, #tpu.memory_space<smem>>
    memref.store %reduce_min3A_310, %arg11[%swap3A_311, %swap3A_312, %swap3A_313] : memref<4x1x3xi32, #tpu.memory_space<smem>>
    %eq3A_315 = vector.broadcast %reduce_min3A_310 : i32 to vector<32x1xi32>
    %eq3A_316 = arith.cmpi eq, %iota3A, %eq3A_315 : vector<32x1xi32>
    %jit3A_317 = arith.constant 0.000000e+00 : f32
    %broadcast_in_dim3A_318 = vector.broadcast %jit3A_317 : f32 to vector<32x1xf32>
    %select_n3A_319 = arith.select %eq3A_316, %squeeze3A_295, %broadcast_in_dim3A_318 : vector<32x1xi1>, vector<32x1xf32>
    %reduce_sum3A_320 = vector.shape_cast %select_n3A_319 : vector<32x1xf32> to vector<1x32x1xf32>
    %reduce_sum3A_321 = arith.constant dense<0.000000e+00> : vector<1xf32>
    %reduce_sum3A_322 = vector.multi_reduction <add>, %reduce_sum3A_320, %reduce_sum3A_321 [1, 2] : vector<1x32x1xf32> to vector<1xf32>
    %reduce_sum3A_323 = vector.shape_cast %reduce_sum3A_322 : vector<1xf32> to vector<1x1x1xf32>
    %reduce_sum3A_324 = vector.extract %reduce_sum3A_323[0, 0, 0] : f32 from vector<1x1x1xf32>
    %add3A_325 = arith.constant 0.000000e+00 : f32
    %add3A_326 = arith.addf %add3A_325, %reduce_sum3A_324 : f32
    %jit3A_327 = arith.constant 0xFF800000 : f32
    %broadcast_in_dim3A_328 = vector.broadcast %jit3A_327 : f32 to vector<32x1xf32>
    %select_n3A_329 = arith.select %eq3A_316, %broadcast_in_dim3A_328, %squeeze3A_293 : vector<32x1xi1>, vector<32x1xf32>
    %reduce_max3A_330 = vector.shape_cast %select_n3A_329 : vector<32x1xf32> to vector<1x32x1xf32>
    %reduce_max3A_331 = arith.constant dense<0xFF800000> : vector<1xf32>
    %reduce_max3A_332 = vector.multi_reduction <maximumf>, %reduce_max3A_330, %reduce_max3A_331 [1, 2] : vector<1x32x1xf32> to vector<1xf32>
    %reduce_max3A_333 = vector.shape_cast %reduce_max3A_332 : vector<1xf32> to vector<1x1x1xf32>
    %reduce_max3A_334 = vector.extract %reduce_max3A_333[0, 0, 0] : f32 from vector<1x1x1xf32>
    %eq3A_335 = vector.broadcast %reduce_max3A_334 : f32 to vector<32x1xf32>
    %eq3A_336 = arith.cmpf oeq, %select_n3A_329, %eq3A_335 : vector<32x1xf32>
    %jit3A_337 = arith.constant 32 : i32
    %broadcast_in_dim3A_338 = vector.broadcast %jit3A_337 : i32 to vector<32x1xi32>
    %select_n3A_339 = arith.select %eq3A_336, %iota3A, %broadcast_in_dim3A_338 : vector<32x1xi1>, vector<32x1xi32>
    %reduce_min3A_340 = vector.shape_cast %select_n3A_339 : vector<32x1xi32> to vector<1x32x1xi32>
    %reduce_min3A_341 = arith.constant dense<2147483647> : vector<1xi32>
    %reduce_min3A_342 = vector.multi_reduction <minsi>, %reduce_min3A_340, %reduce_min3A_341 [1, 2] : vector<1x32x1xi32> to vector<1xi32>
    %reduce_min3A_343 = vector.shape_cast %reduce_min3A_342 : vector<1xi32> to vector<1x1x1xi32>
    %reduce_min3A_344 = vector.extract %reduce_min3A_343[0, 0, 0] : i32 from vector<1x1x1xi32>
    %swap3A_345 = arith.constant 2 : index
    %swap3A_346 = arith.constant 0 : index
    %swap3A_347 = arith.constant 1 : index
    %swap3A_348 = memref.load %arg11[%swap3A_345, %swap3A_346, %swap3A_347] : memref<4x1x3xi32, #tpu.memory_space<smem>>
    memref.store %reduce_min3A_344, %arg11[%swap3A_345, %swap3A_346, %swap3A_347] : memref<4x1x3xi32, #tpu.memory_space<smem>>
    %eq3A_349 = vector.broadcast %reduce_min3A_344 : i32 to vector<32x1xi32>
    %eq3A_350 = arith.cmpi eq, %iota3A, %eq3A_349 : vector<32x1xi32>
    %jit3A_351 = arith.constant 0.000000e+00 : f32
    %broadcast_in_dim3A_352 = vector.broadcast %jit3A_351 : f32 to vector<32x1xf32>
    %select_n3A_353 = arith.select %eq3A_350, %squeeze3A_295, %broadcast_in_dim3A_352 : vector<32x1xi1>, vector<32x1xf32>
    %reduce_sum3A_354 = vector.shape_cast %select_n3A_353 : vector<32x1xf32> to vector<1x32x1xf32>
    %reduce_sum3A_355 = arith.constant dense<0.000000e+00> : vector<1xf32>
    %reduce_sum3A_356 = vector.multi_reduction <add>, %reduce_sum3A_354, %reduce_sum3A_355 [1, 2] : vector<1x32x1xf32> to vector<1xf32>
    %reduce_sum3A_357 = vector.shape_cast %reduce_sum3A_356 : vector<1xf32> to vector<1x1x1xf32>
    %reduce_sum3A_358 = vector.extract %reduce_sum3A_357[0, 0, 0] : f32 from vector<1x1x1xf32>
    %add3A_359 = arith.addf %add3A_326, %reduce_sum3A_358 : f32
    %jit3A_360 = arith.constant 0xFF800000 : f32
    %broadcast_in_dim3A_361 = vector.broadcast %jit3A_360 : f32 to vector<32x1xf32>
    %select_n3A_362 = arith.select %eq3A_350, %broadcast_in_dim3A_361, %select_n3A_329 : vector<32x1xi1>, vector<32x1xf32>
    %reduce_max3A_363 = vector.shape_cast %select_n3A_362 : vector<32x1xf32> to vector<1x32x1xf32>
    %reduce_max3A_364 = arith.constant dense<0xFF800000> : vector<1xf32>
    %reduce_max3A_365 = vector.multi_reduction <maximumf>, %reduce_max3A_363, %reduce_max3A_364 [1, 2] : vector<1x32x1xf32> to vector<1xf32>
    %reduce_max3A_366 = vector.shape_cast %reduce_max3A_365 : vector<1xf32> to vector<1x1x1xf32>
    %reduce_max3A_367 = vector.extract %reduce_max3A_366[0, 0, 0] : f32 from vector<1x1x1xf32>
    %eq3A_368 = vector.broadcast %reduce_max3A_367 : f32 to vector<32x1xf32>
    %eq3A_369 = arith.cmpf oeq, %select_n3A_362, %eq3A_368 : vector<32x1xf32>
    %jit3A_370 = arith.constant 32 : i32
    %broadcast_in_dim3A_371 = vector.broadcast %jit3A_370 : i32 to vector<32x1xi32>
    %select_n3A_372 = arith.select %eq3A_369, %iota3A, %broadcast_in_dim3A_371 : vector<32x1xi1>, vector<32x1xi32>
    %reduce_min3A_373 = vector.shape_cast %select_n3A_372 : vector<32x1xi32> to vector<1x32x1xi32>
    %reduce_min3A_374 = arith.constant dense<2147483647> : vector<1xi32>
    %reduce_min3A_375 = vector.multi_reduction <minsi>, %reduce_min3A_373, %reduce_min3A_374 [1, 2] : vector<1x32x1xi32> to vector<1xi32>
    %reduce_min3A_376 = vector.shape_cast %reduce_min3A_375 : vector<1xi32> to vector<1x1x1xi32>
    %reduce_min3A_377 = vector.extract %reduce_min3A_376[0, 0, 0] : i32 from vector<1x1x1xi32>
    %swap3A_378 = arith.constant 2 : index
    %swap3A_379 = arith.constant 0 : index
    %swap3A_380 = arith.constant 2 : index
    %swap3A_381 = memref.load %arg11[%swap3A_378, %swap3A_379, %swap3A_380] : memref<4x1x3xi32, #tpu.memory_space<smem>>
    memref.store %reduce_min3A_377, %arg11[%swap3A_378, %swap3A_379, %swap3A_380] : memref<4x1x3xi32, #tpu.memory_space<smem>>
    %eq3A_382 = vector.broadcast %reduce_min3A_377 : i32 to vector<32x1xi32>
    %eq3A_383 = arith.cmpi eq, %iota3A, %eq3A_382 : vector<32x1xi32>
    %jit3A_384 = arith.constant 0.000000e+00 : f32
    %broadcast_in_dim3A_385 = vector.broadcast %jit3A_384 : f32 to vector<32x1xf32>
    %select_n3A_386 = arith.select %eq3A_383, %squeeze3A_295, %broadcast_in_dim3A_385 : vector<32x1xi1>, vector<32x1xf32>
    %reduce_sum3A_387 = vector.shape_cast %select_n3A_386 : vector<32x1xf32> to vector<1x32x1xf32>
    %reduce_sum3A_388 = arith.constant dense<0.000000e+00> : vector<1xf32>
    %reduce_sum3A_389 = vector.multi_reduction <add>, %reduce_sum3A_387, %reduce_sum3A_388 [1, 2] : vector<1x32x1xf32> to vector<1xf32>
    %reduce_sum3A_390 = vector.shape_cast %reduce_sum3A_389 : vector<1xf32> to vector<1x1x1xf32>
    %reduce_sum3A_391 = vector.extract %reduce_sum3A_390[0, 0, 0] : f32 from vector<1x1x1xf32>
    %add3A_392 = arith.addf %add3A_359, %reduce_sum3A_391 : f32
    %mul3A_393 = arith.constant 0.333333343 : f32
    %mul3A_394 = arith.mulf %add3A_392, %mul3A_393 : f32
    %swap3A_395 = arith.constant 2 : index
    %swap3A_396 = arith.constant 0 : index
    %swap3A_397 = arith.constant 0 : index
    %swap3A_398 = memref.load %arg12[%swap3A_395, %swap3A_396, %swap3A_397] : memref<4x1x1xf32, #tpu.memory_space<smem>>
    memref.store %mul3A_394, %arg12[%swap3A_395, %swap3A_396, %swap3A_397] : memref<4x1x1xf32, #tpu.memory_space<smem>>
    %slice3A_399 = vector.extract_strided_slice %div3A_80 {offsets = [3, 0, 0], sizes = [1, 32, 1], strides = [1, 1, 1]} : vector<4x32x1xf32> to vector<1x32x1xf32>
    %squeeze3A_400 = vector.shape_cast %slice3A_399 : vector<1x32x1xf32> to vector<32x1xf32>
    %slice3A_401 = vector.extract_strided_slice %div3A_63 {offsets = [3, 0, 0], sizes = [1, 32, 1], strides = [1, 1, 1]} : vector<4x32x1xf32> to vector<1x32x1xf32>
    %squeeze3A_402 = vector.shape_cast %slice3A_401 : vector<1x32x1xf32> to vector<32x1xf32>
    %reduce_max3A_403 = vector.shape_cast %squeeze3A_400 : vector<32x1xf32> to vector<1x32x1xf32>
    %reduce_max3A_404 = arith.constant dense<0xFF800000> : vector<1xf32>
    %reduce_max3A_405 = vector.multi_reduction <maximumf>, %reduce_max3A_403, %reduce_max3A_404 [1, 2] : vector<1x32x1xf32> to vector<1xf32>
    %reduce_max3A_406 = vector.shape_cast %reduce_max3A_405 : vector<1xf32> to vector<1x1x1xf32>
    %reduce_max3A_407 = vector.extract %reduce_max3A_406[0, 0, 0] : f32 from vector<1x1x1xf32>
    %eq3A_408 = vector.broadcast %reduce_max3A_407 : f32 to vector<32x1xf32>
    %eq3A_409 = arith.cmpf oeq, %squeeze3A_400, %eq3A_408 : vector<32x1xf32>
    %jit3A_410 = arith.constant 32 : i32
    %broadcast_in_dim3A_411 = vector.broadcast %jit3A_410 : i32 to vector<32x1xi32>
    %select_n3A_412 = arith.select %eq3A_409, %iota3A, %broadcast_in_dim3A_411 : vector<32x1xi1>, vector<32x1xi32>
    %reduce_min3A_413 = vector.shape_cast %select_n3A_412 : vector<32x1xi32> to vector<1x32x1xi32>
    %reduce_min3A_414 = arith.constant dense<2147483647> : vector<1xi32>
    %reduce_min3A_415 = vector.multi_reduction <minsi>, %reduce_min3A_413, %reduce_min3A_414 [1, 2] : vector<1x32x1xi32> to vector<1xi32>
    %reduce_min3A_416 = vector.shape_cast %reduce_min3A_415 : vector<1xi32> to vector<1x1x1xi32>
    %reduce_min3A_417 = vector.extract %reduce_min3A_416[0, 0, 0] : i32 from vector<1x1x1xi32>
    %swap3A_418 = arith.constant 3 : index
    %swap3A_419 = arith.constant 0 : index
    %swap3A_420 = arith.constant 0 : index
    %swap3A_421 = memref.load %arg11[%swap3A_418, %swap3A_419, %swap3A_420] : memref<4x1x3xi32, #tpu.memory_space<smem>>
    memref.store %reduce_min3A_417, %arg11[%swap3A_418, %swap3A_419, %swap3A_420] : memref<4x1x3xi32, #tpu.memory_space<smem>>
    %eq3A_422 = vector.broadcast %reduce_min3A_417 : i32 to vector<32x1xi32>
    %eq3A_423 = arith.cmpi eq, %iota3A, %eq3A_422 : vector<32x1xi32>
    %jit3A_424 = arith.constant 0.000000e+00 : f32
    %broadcast_in_dim3A_425 = vector.broadcast %jit3A_424 : f32 to vector<32x1xf32>
    %select_n3A_426 = arith.select %eq3A_423, %squeeze3A_402, %broadcast_in_dim3A_425 : vector<32x1xi1>, vector<32x1xf32>
    %reduce_sum3A_427 = vector.shape_cast %select_n3A_426 : vector<32x1xf32> to vector<1x32x1xf32>
    %reduce_sum3A_428 = arith.constant dense<0.000000e+00> : vector<1xf32>
    %reduce_sum3A_429 = vector.multi_reduction <add>, %reduce_sum3A_427, %reduce_sum3A_428 [1, 2] : vector<1x32x1xf32> to vector<1xf32>
    %reduce_sum3A_430 = vector.shape_cast %reduce_sum3A_429 : vector<1xf32> to vector<1x1x1xf32>
    %reduce_sum3A_431 = vector.extract %reduce_sum3A_430[0, 0, 0] : f32 from vector<1x1x1xf32>
    %add3A_432 = arith.constant 0.000000e+00 : f32
    %add3A_433 = arith.addf %add3A_432, %reduce_sum3A_431 : f32
    %jit3A_434 = arith.constant 0xFF800000 : f32
    %broadcast_in_dim3A_435 = vector.broadcast %jit3A_434 : f32 to vector<32x1xf32>
    %select_n3A_436 = arith.select %eq3A_423, %broadcast_in_dim3A_435, %squeeze3A_400 : vector<32x1xi1>, vector<32x1xf32>
    %reduce_max3A_437 = vector.shape_cast %select_n3A_436 : vector<32x1xf32> to vector<1x32x1xf32>
    %reduce_max3A_438 = arith.constant dense<0xFF800000> : vector<1xf32>
    %reduce_max3A_439 = vector.multi_reduction <maximumf>, %reduce_max3A_437, %reduce_max3A_438 [1, 2] : vector<1x32x1xf32> to vector<1xf32>
    %reduce_max3A_440 = vector.shape_cast %reduce_max3A_439 : vector<1xf32> to vector<1x1x1xf32>
    %reduce_max3A_441 = vector.extract %reduce_max3A_440[0, 0, 0] : f32 from vector<1x1x1xf32>
    %eq3A_442 = vector.broadcast %reduce_max3A_441 : f32 to vector<32x1xf32>
    %eq3A_443 = arith.cmpf oeq, %select_n3A_436, %eq3A_442 : vector<32x1xf32>
    %jit3A_444 = arith.constant 32 : i32
    %broadcast_in_dim3A_445 = vector.broadcast %jit3A_444 : i32 to vector<32x1xi32>
    %select_n3A_446 = arith.select %eq3A_443, %iota3A, %broadcast_in_dim3A_445 : vector<32x1xi1>, vector<32x1xi32>
    %reduce_min3A_447 = vector.shape_cast %select_n3A_446 : vector<32x1xi32> to vector<1x32x1xi32>
    %reduce_min3A_448 = arith.constant dense<2147483647> : vector<1xi32>
    %reduce_min3A_449 = vector.multi_reduction <minsi>, %reduce_min3A_447, %reduce_min3A_448 [1, 2] : vector<1x32x1xi32> to vector<1xi32>
    %reduce_min3A_450 = vector.shape_cast %reduce_min3A_449 : vector<1xi32> to vector<1x1x1xi32>
    %reduce_min3A_451 = vector.extract %reduce_min3A_450[0, 0, 0] : i32 from vector<1x1x1xi32>
    %swap3A_452 = arith.constant 3 : index
    %swap3A_453 = arith.constant 0 : index
    %swap3A_454 = arith.constant 1 : index
    %swap3A_455 = memref.load %arg11[%swap3A_452, %swap3A_453, %swap3A_454] : memref<4x1x3xi32, #tpu.memory_space<smem>>
    memref.store %reduce_min3A_451, %arg11[%swap3A_452, %swap3A_453, %swap3A_454] : memref<4x1x3xi32, #tpu.memory_space<smem>>
    %eq3A_456 = vector.broadcast %reduce_min3A_451 : i32 to vector<32x1xi32>
    %eq3A_457 = arith.cmpi eq, %iota3A, %eq3A_456 : vector<32x1xi32>
    %jit3A_458 = arith.constant 0.000000e+00 : f32
    %broadcast_in_dim3A_459 = vector.broadcast %jit3A_458 : f32 to vector<32x1xf32>
    %select_n3A_460 = arith.select %eq3A_457, %squeeze3A_402, %broadcast_in_dim3A_459 : vector<32x1xi1>, vector<32x1xf32>
    %reduce_sum3A_461 = vector.shape_cast %select_n3A_460 : vector<32x1xf32> to vector<1x32x1xf32>
    %reduce_sum3A_462 = arith.constant dense<0.000000e+00> : vector<1xf32>
    %reduce_sum3A_463 = vector.multi_reduction <add>, %reduce_sum3A_461, %reduce_sum3A_462 [1, 2] : vector<1x32x1xf32> to vector<1xf32>
    %reduce_sum3A_464 = vector.shape_cast %reduce_sum3A_463 : vector<1xf32> to vector<1x1x1xf32>
    %reduce_sum3A_465 = vector.extract %reduce_sum3A_464[0, 0, 0] : f32 from vector<1x1x1xf32>
    %add3A_466 = arith.addf %add3A_433, %reduce_sum3A_465 : f32
    %jit3A_467 = arith.constant 0xFF800000 : f32
    %broadcast_in_dim3A_468 = vector.broadcast %jit3A_467 : f32 to vector<32x1xf32>
    %select_n3A_469 = arith.select %eq3A_457, %broadcast_in_dim3A_468, %select_n3A_436 : vector<32x1xi1>, vector<32x1xf32>
    %reduce_max3A_470 = vector.shape_cast %select_n3A_469 : vector<32x1xf32> to vector<1x32x1xf32>
    %reduce_max3A_471 = arith.constant dense<0xFF800000> : vector<1xf32>
    %reduce_max3A_472 = vector.multi_reduction <maximumf>, %reduce_max3A_470, %reduce_max3A_471 [1, 2] : vector<1x32x1xf32> to vector<1xf32>
    %reduce_max3A_473 = vector.shape_cast %reduce_max3A_472 : vector<1xf32> to vector<1x1x1xf32>
    %reduce_max3A_474 = vector.extract %reduce_max3A_473[0, 0, 0] : f32 from vector<1x1x1xf32>
    %eq3A_475 = vector.broadcast %reduce_max3A_474 : f32 to vector<32x1xf32>
    %eq3A_476 = arith.cmpf oeq, %select_n3A_469, %eq3A_475 : vector<32x1xf32>
    %jit3A_477 = arith.constant 32 : i32
    %broadcast_in_dim3A_478 = vector.broadcast %jit3A_477 : i32 to vector<32x1xi32>
    %select_n3A_479 = arith.select %eq3A_476, %iota3A, %broadcast_in_dim3A_478 : vector<32x1xi1>, vector<32x1xi32>
    %reduce_min3A_480 = vector.shape_cast %select_n3A_479 : vector<32x1xi32> to vector<1x32x1xi32>
    %reduce_min3A_481 = arith.constant dense<2147483647> : vector<1xi32>
    %reduce_min3A_482 = vector.multi_reduction <minsi>, %reduce_min3A_480, %reduce_min3A_481 [1, 2] : vector<1x32x1xi32> to vector<1xi32>
    %reduce_min3A_483 = vector.shape_cast %reduce_min3A_482 : vector<1xi32> to vector<1x1x1xi32>
    %reduce_min3A_484 = vector.extract %reduce_min3A_483[0, 0, 0] : i32 from vector<1x1x1xi32>
    %swap3A_485 = arith.constant 3 : index
    %swap3A_486 = arith.constant 0 : index
    %swap3A_487 = arith.constant 2 : index
    %swap3A_488 = memref.load %arg11[%swap3A_485, %swap3A_486, %swap3A_487] : memref<4x1x3xi32, #tpu.memory_space<smem>>
    memref.store %reduce_min3A_484, %arg11[%swap3A_485, %swap3A_486, %swap3A_487] : memref<4x1x3xi32, #tpu.memory_space<smem>>
    %eq3A_489 = vector.broadcast %reduce_min3A_484 : i32 to vector<32x1xi32>
    %eq3A_490 = arith.cmpi eq, %iota3A, %eq3A_489 : vector<32x1xi32>
    %jit3A_491 = arith.constant 0.000000e+00 : f32
    %broadcast_in_dim3A_492 = vector.broadcast %jit3A_491 : f32 to vector<32x1xf32>
    %select_n3A_493 = arith.select %eq3A_490, %squeeze3A_402, %broadcast_in_dim3A_492 : vector<32x1xi1>, vector<32x1xf32>
    %reduce_sum3A_494 = vector.shape_cast %select_n3A_493 : vector<32x1xf32> to vector<1x32x1xf32>
    %reduce_sum3A_495 = arith.constant dense<0.000000e+00> : vector<1xf32>
    %reduce_sum3A_496 = vector.multi_reduction <add>, %reduce_sum3A_494, %reduce_sum3A_495 [1, 2] : vector<1x32x1xf32> to vector<1xf32>
    %reduce_sum3A_497 = vector.shape_cast %reduce_sum3A_496 : vector<1xf32> to vector<1x1x1xf32>
    %reduce_sum3A_498 = vector.extract %reduce_sum3A_497[0, 0, 0] : f32 from vector<1x1x1xf32>
    %add3A_499 = arith.addf %add3A_466, %reduce_sum3A_498 : f32
    %mul3A_500 = arith.constant 0.333333343 : f32
    %mul3A_501 = arith.mulf %add3A_499, %mul3A_500 : f32
    %swap3A_502 = arith.constant 3 : index
    %swap3A_503 = arith.constant 0 : index
    %swap3A_504 = arith.constant 0 : index
    %swap3A_505 = memref.load %arg12[%swap3A_502, %swap3A_503, %swap3A_504] : memref<4x1x1xf32, #tpu.memory_space<smem>>
    memref.store %mul3A_501, %arg12[%swap3A_502, %swap3A_503, %swap3A_504] : memref<4x1x1xf32, #tpu.memory_space<smem>>
    return
  }
  func.func @transform_0(%arg0: i32) -> (i32, i32, i32, i32) {
    %c0_i32 = arith.constant 0 : i32
    %c0_i32_0 = arith.constant 0 : i32
    %c0_i32_1 = arith.constant 0 : i32
    %c0_i32_2 = arith.constant 0 : i32
    return %arg0, %c0_i32, %c0_i32_0, %c0_i32_1 : i32, i32, i32, i32
  }
  func.func @transform_1(%arg0: i32) -> (i32, i32, i32, i32) {
    %c0_i32 = arith.constant 0 : i32
    %c0_i32_0 = arith.constant 0 : i32
    %c0_i32_1 = arith.constant 0 : i32
    %c0_i32_2 = arith.constant 0 : i32
    return %arg0, %c0_i32, %c0_i32_0, %c0_i32_1 : i32, i32, i32, i32
  }
  func.func @transform_2(%arg0: i32) -> (i32, i32) {
    %c0_i32 = arith.constant 0 : i32
    %c0_i32_0 = arith.constant 0 : i32
    %c0_i32_1 = arith.constant 0 : i32
    return %c0_i32, %c0_i32_0 : i32, i32
  }
  func.func @transform_3(%arg0: i32) -> (i32, i32) {
    %c0_i32 = arith.constant 0 : i32
    %c0_i32_0 = arith.constant 0 : i32
    %c0_i32_1 = arith.constant 0 : i32
    return %c0_i32, %c0_i32_0 : i32, i32
  }
  func.func @transform_4(%arg0: i32) -> (i32, i32) {
    %c0_i32 = arith.constant 0 : i32
    %c0_i32_0 = arith.constant 0 : i32
    %c0_i32_1 = arith.constant 0 : i32
    return %c0_i32, %c0_i32_0 : i32, i32
  }
  func.func @transform_5(%arg0: i32) -> (i32, i32) {
    %c0_i32 = arith.constant 0 : i32
    %c0_i32_0 = arith.constant 0 : i32
    %c0_i32_1 = arith.constant 0 : i32
    return %c0_i32, %c0_i32_0 : i32, i32
  }
  func.func @transform_6(%arg0: i32) -> (i32, i32) {
    %c0_i32 = arith.constant 0 : i32
    %c0_i32_0 = arith.constant 0 : i32
    %c0_i32_1 = arith.constant 0 : i32
    return %c0_i32, %c0_i32_0 : i32, i32
  }
  func.func @transform_7(%arg0: i32) -> (i32, i32) {
    %c0_i32 = arith.constant 0 : i32
    %c0_i32_0 = arith.constant 0 : i32
    %c0_i32_1 = arith.constant 0 : i32
    return %c0_i32, %c0_i32_0 : i32, i32
  }
  func.func @transform_8(%arg0: i32) -> (i32, i32, i32) {
    %c0_i32 = arith.constant 0 : i32
    %c0_i32_0 = arith.constant 0 : i32
    %c0_i32_1 = arith.constant 0 : i32
    return %arg0, %c0_i32, %c0_i32_0 : i32, i32, i32
  }
  func.func @transform_9(%arg0: i32) -> (i32, i32, i32) {
    %c0_i32 = arith.constant 0 : i32
    %c0_i32_0 = arith.constant 0 : i32
    %c0_i32_1 = arith.constant 0 : i32
    return %arg0, %c0_i32, %c0_i32_0 : i32, i32, i32
  }
  func.func @transform_10(%arg0: i32) -> (i32, i32, i32) {
    %c0_i32 = arith.constant 0 : i32
    %c0_i32_0 = arith.constant 0 : i32
    %c0_i32_1 = arith.constant 0 : i32
    return %arg0, %c0_i32, %c0_i32_0 : i32, i32, i32
  }
  func.func @transform_11(%arg0: i32) -> (i32, i32, i32) {
    %c0_i32 = arith.constant 0 : i32
    %c0_i32_0 = arith.constant 0 : i32
    %c0_i32_1 = arith.constant 0 : i32
    return %arg0, %c0_i32, %c0_i32_0 : i32, i32, i32
  }
}

</mosaic_0001>

<sc_bundles>
// kernel: kernel.4.cloned.1.call-start
scs
__scs_entry_jumppad:
0x0: {  	(pc) =	sbr.rel $0x88, $3  }
0x1: {  	(tag) =	ssettag $0x0;
	lr =	simm.s32 $0x1  }
0x2: {  	[smem:$0x3F99] =	sst lr;
	_ =	strace $0xD0000000  }
0x3: {  	_ = 	snop  }
0x4: {  	_ = 	snop  }
0x5: {  	_ = 	snop  }
0x6: {  	_ = 	snop  }
0x7: {  	_ = 	snop  }
__scs_overlays_trampoline_lowered:
0x8: {  	[smem:$0x3FA8] =	sst s0  }
0x9: {  	[smem:$0x3FA9] =	sst s1  }
0xa: {  	[smem:$0x3FAA] =	sst s2  }
0xb: {  	[smem:$0x3FAB] =	sst s3  }
0xc: {  	[smem:$0x3FAC] =	sst s4  }
0xd: {  	[smem:$0x3FAD] =	sst s5  }
0xe: {  	[smem:$0x3FAE] =	sst s6  }
0xf: {  	[smem:$0x3FAF] =	sst s7  }
0x10: {  	[smem:$0x3FB0] =	sst s8  }
0x11: {  	[smem:$0x3FB1] =	sst s9;
	s0 =	simm.s32 @!p0 $0x0  }
0x12: {  	s1 =	sld [smem:$0x3F97];
	s0 =	simm.s32 @p0 $0x1  }
0x13: {  	[smem:$0x3FB2] =	sst s0;
	s0 =	simm.s32 @!p1 $0x0  }
0x14: {  	s2 =	sld [smem:$0x3F96];
	s0 =	simm.s32 @p1 $0x1  }
0x15: {  	[smem:$0x3FB3] =	sst s0;
	s0 =	simm.s32 @!p2 $0x0  }
0x16: {  	s3 =	sld [smem:$0x3FDB];
	s0 =	simm.s32 @p2 $0x1  }
0x17: {  	s4 =	simm.s32 $0x1BF5;
	[smem:$0x3FB5] =	sst s0  }
0x18: {  	s0 =	sld [smem:$0x3F98];
	_ =	swait.ge [sflag:s4], $0x0  }
0x19: {  	s7 =	sld [smem:$0x3F99]  }
0x1a: {  	s8 =	sadd.s32 $0xFFFFE003, lr  }
0x1b: {  	s9 =	sadd.s32 $0xFFFFFEF7, lr;
	s5 =	simm.s32 $0xFFFFFFFF;
	p2 =	slt.u32 s8, $0xFFFFF086  }
0x1c: {  	p1 =	slt.u32 s9, $0xF7A;
	s5 =	simm.s32 @!p2 $0x0  }
0x1d: {  	s5 =	simm.s32 @p1 $0x1;
	p0 =	seq.s32 s7, s2  }
0x1e: {  	s7 =	smul.u32 @!p0 $0xF7A, s2;
	p2 =	seq.s32 @!p0 s5, $0x0  }
0x1f: {  	s9 =	smul.u32 $0xF7A, s1;
	s8 =	simm.s32 @!p0 $0x1BF5;
	p2 =	por !p2, p0  }
0x20: {  	[sflag:s8] =	ssyncset.s32 @!p0 $0xFFFFF086;
	s6 =	sadd.s32 @!p0 s3, s7;
	s7 =	simm.s32 @!p0 $0x108  }
0x21: {  	s3 =	sadd.s32 s3, s9;
	s6 =	sadd.s32 @!p0 $0x88, s6;
	s7 =	simm.s32 @p2 $0x1082  }
0x22: {  	[simem:s7], [sflag:s8] =	dma.local @!p0 [hbm:s6], $0xF7A  }
0x23: {  	s9 =	sor.u32 $0xD0000000, s2;
	s6 =	simm.s32 $0x108;
	_ =	swait.ge @!p0 [sflag:s8], $0x0  }
0x24: {  	s3 =	sadd.s32 $0x88, s3;
	s6 =	simm.s32 @!p1 $0x1082;
	[sflag:s4] =	ssyncset.s32 $0xFFFFF086  }
0x25: {  	[simem:s6], [sflag:s4] =	dma.local [hbm:s3], $0xF7A  }
0x26: {  	[smem:$0x3F99] =	sst s1;
	(tag) =	ssettag s2;
	_ =	strace s9  }
0x27: {  	s1 =	sld [smem:$0x3FA9]  }
0x28: {  	s2 =	sld [smem:$0x3FAA]  }
0x29: {  	s4 =	sld [smem:$0x3FAC]  }
0x2a: {  	p0 =	seq.s32 s5, $0x0;
	s5 =	sld [smem:$0x3FAD]  }
0x2b: {  	s6 =	sld [smem:$0x3FAE]  }
0x2c: {  	s7 =	sld [smem:$0x3FAF]  }
0x2d: {  	s3 =	simm.s32 $0x108;
	s8 =	sld [smem:$0x3FB0]  }
0x2e: {  	s3 =	simm.s32 @!p0 $0x1082;
	s9 =	sld [smem:$0x3FB1]  }
0x2f: {  	lr =	sadd.s32 s0, s3;
	s0 =	sld [smem:$0x3FA8]  }
0x30: {  	s3 =	sld [smem:$0x3FAB]  }
0x31: {  	[smem:$0x3FB4] =	sst s10  }
0x32: {  	s10 =	sld [smem:$0x3FB2];
	_ =	sdelay $0x3  }
0x33: {  	p0 =	seq.s32 s10, $0x1;
	s10 =	sld [smem:$0x3FB4];
	_ =	sdelay $0x3  }
0x34: {  	[smem:$0x3FB4] =	sst s10  }
0x35: {  	s10 =	sld [smem:$0x3FB3];
	_ =	sdelay $0x3  }
0x36: {  	p1 =	seq.s32 s10, $0x1;
	s10 =	sld [smem:$0x3FB4];
	_ =	sdelay $0x3  }
0x37: {  	[smem:$0x3FB4] =	sst s10  }
0x38: {  	s10 =	sld [smem:$0x3FB5]  }
0x39: {  	_ = 	snop;
	(pc) =	sbr.ind lr, $3  }
0x3a: {  	_ = 	snop  }
0x3b: {  	_ = 	snop  }
0x3c: {  	p2 =	seq.s32 s10, $0x1;
	s10 =	sld [smem:$0x3FB4]  }
0x3d: {  	_ =	shalt  }
0x3e: {  	_ =	shalt  }
0x3f: {  	_ =	shalt  }
0x40: {  	_ =	shalt  }
0x41: {  	_ =	shalt  }
0x42: {  	_ =	shalt  }
0x43: {  	_ =	shalt  }
0x44: {  	_ =	shalt  }
0x45: {  	_ =	shalt  }
0x46: {  	_ =	shalt  }
0x47: {  	_ =	shalt  }
0x48: {  	_ =	shalt  }
0x49: {  	_ =	shalt  }
0x4a: {  	_ =	shalt  }
0x4b: {  	_ =	shalt  }
0x4c: {  	_ =	shalt  }
0x4d: {  	_ =	shalt  }
0x4e: {  	_ =	shalt  }
0x4f: {  	_ =	shalt  }
0x50: {  	_ =	shalt  }
0x51: {  	_ =	shalt  }
0x52: {  	_ =	shalt  }
0x53: {  	_ =	shalt  }
0x54: {  	_ =	shalt  }
0x55: {  	_ =	shalt  }
0x56: {  	_ =	shalt  }
0x57: {  	_ =	shalt  }
0x58: {  	_ =	shalt  }
0x59: {  	_ =	shalt  }
0x5a: {  	_ =	shalt  }
0x5b: {  	_ =	shalt  }
0x5c: {  	_ =	shalt  }
0x5d: {  	_ =	shalt  }
0x5e: {  	_ =	shalt  }
0x5f: {  	_ =	shalt  }
0x60: {  	_ =	shalt  }
0x61: {  	_ =	shalt  }
0x62: {  	_ =	shalt  }
0x63: {  	_ =	shalt  }
0x64: {  	_ =	shalt  }
0x65: {  	_ =	shalt  }
0x66: {  	_ =	shalt  }
0x67: {  	_ =	shalt  }
0x68: {  	_ =	shalt  }
0x69: {  	_ =	shalt  }
0x6a: {  	_ =	shalt  }
0x6b: {  	_ =	shalt  }
0x6c: {  	_ =	shalt  }
0x6d: {  	_ =	shalt  }
0x6e: {  	_ =	shalt  }
0x6f: {  	_ =	shalt  }
0x70: {  	_ =	shalt  }
0x71: {  	_ =	shalt  }
0x72: {  	_ =	shalt  }
0x73: {  	_ =	shalt  }
0x74: {  	_ =	shalt  }
0x75: {  	_ =	shalt  }
0x76: {  	_ =	shalt  }
0x77: {  	_ =	shalt  }
0x78: {  	_ =	shalt  }
0x79: {  	_ =	shalt  }
0x7a: {  	_ =	shalt  }
0x7b: {  	_ =	shalt  }
0x7c: {  	_ =	shalt  }
0x7d: {  	_ =	shalt  }
0x7e: {  	_ =	shalt  }
0x7f: {  	_ =	shalt  }
0x80: {  	_ =	shalt  }
0x81: {  	_ =	shalt  }
0x82: {  	_ =	shalt  }
0x83: {  	_ =	shalt  }
0x84: {  	_ =	shalt  }
0x85: {  	_ =	shalt  }
0x86: {  	_ =	shalt  }
0x87: {  	_ =	shalt  }
.Lfunc_end0:
.L_simem_size_0:
called_computation_lowered:
.L_overlay_start_0:
0x88: {  	s2 =	sld [smem:$0x3FD9]  }
0x89: {  	s3 =	sld [smem:$0x3FFE];
	_ =	sdelay $0x1  }
0x8a: {  	s1 =	srdreg.scid  }
0x8b: {  	s0 =	sand.u32 $0x1, s1  }
0x8c: {  	s14 =	sshll.u32 s0, $0xA;
	s2 =	sadd.s32 s3, s2  }
0x8d: {  	s2 =	sadd.s32 s2, s14  }
0x8e: {  	[smem:$0x3FC0] =	sst s2  }
0x8f: {  	_ = 	snop  }
0x90: {  	s4 =	sld [smem:$0x3FD0];
	_ =	sdelay $0x1  }
0x91: {  	s2 =	sld [smem:$0x3FC9]  }
0x92: {  	s5 =	simm.s32 $0xA;
	s6 =	simm.s32 $0x10;
	s15 =	sld [smem:$0x3FC8]  }
0x93: {  	[smem:s6], [sflag:s5] =	dma.local [hbm:s4], $0x1  }
0x94: {  	_ =	swait.eq [sflag:s5], $0x1  }
0x95: {  	s7 =	sld [smem:$0x12]  }
0x96: {  	s8 =	sld [smem:$0x13]  }
0x97: {  	s9 =	sld [smem:$0x14];
	[sflag:s5] =	ssyncset.done $0x0  }
0x98: {  	s10 =	sld [smem:$0x15];
	[sflag:s5] =	ssyncadd.s32 $0xFFFFFFFF  }
0x99: {  	s4 =	sadd.s32 $0x1, s4;
	s11 =	sld [smem:$0x17]  }
0x9a: {  	[smem:s6], [sflag:s5] =	dma.local [hbm:s4], $0x1  }
0x9b: {  	_ =	swait.eq [sflag:s5], $0x1  }
0x9c: {  	[sflag:s5] =	ssyncset.done $0x0  }
0x9d: {  	[sflag:s5] =	ssyncadd.s32 $0xFFFFFFFF  }
0x9e: {  	s16 =	sld [smem:$0x10];
	(tm) =	ssettm $0x1  }
0x9f: {  	s17 =	sld [smem:$0x3FFB];
	_ =	sdelay $0x3  }
0xa0: {  	_ =	strace s17  }
0xa1: {  	s5 =	sld [smem:$0x3FFC];
	_ =	sdelay $0x3  }
0xa2: {  	_ =	strace s5  }
0xa3: {  	s5 =	sld [smem:$0x3FFD];
	_ =	sdelay $0x3  }
0xa4: {  	_ =	strace s5  }
0xa5: {  	_ =	strace $0x8FFFFFFF  }
0xa6: {  	s18 =	sld [smem:$0x3FDB];
	_ =	sdelay $0x1  }
0xa7: {  	s19 =	simm.s32 $_scs_section_size  }
0xa8: {  	s12 =	simm.s32 $_size__tile_overlayer_lowered;
	s13 =	simm.s32 $_tile_overlayer_lowered  }
0xa9: {  	s22 =	simm.s32 $0x1BFF;
	s21 =	sshll.u32 s13, $0x1;
	s5 =	sadd.s32 s19, s18  }
0xaa: {  	s20 =	sshll.u32 s12, $0x1;
	s14 =	simm.s32 $0x0;
	s12 =	sadd.s32 s21, s5  }
0xab: {  	[timem:s14], [sflag:s22] =	dma.local [hbm:s12], s20  }
0xac: {  	_ =	swait.ge [sflag:s22], s20  }
0xad: {  	s6 =	ssub.s32 $0x0, s20;
	[sflag:s22] =	ssyncset.done $0x0  }
0xae: {  	[sflag:s22] =	ssyncadd.s32 s6;
	_ =	sdelay $0x1  }
0xaf: {  	s23 =	simm.s32 $0x1B8B  }
0xb0: {  	_ =	swait.ge [sflag:s23], $0x1  }
0xb1: {  	[sflag:s23] =	ssyncset.done $0x0  }
0xb2: {  	s25 =	simm.s32 $0x1B8E;
	s24 =	sld [smem:$0x3FFE];
	[sflag:s23] =	ssyncadd.s32 $0xFFFFFFFF  }
0xb3: {  	s26 =	simm.s32 $execute0_lowered;
	[smem:$0x3FD2] =	sst s25  }
0xb4: {  	s12 =	sshll.u32 s26, $0x1;
	_ =	strace $0x80000046;
	[dreg:$0x1] =	wrdreg $0xFFFFFFFF  }
0xb5: {  	s28 =	simm.s32 $_size_execute0_lowered;
	s5 =	sadd.s32 s5, s12;
	[dreg:$0x0] =	wrdreg $0x0  }
0xb6: {  	s12 =	sshll.u32 s28, $0x1;
	[dreg:$0x2] =	wrdreg s5  }
0xb7: {  	[dreg:$0x3] =	wrdreg s12  }
0xb8: {  	[dreg:$0x4] =	wrdreg $0xC0  }
0xb9: {  	_ =	task [dreg:s14], $0x5FFFF  }
0xba: {  	[dreg:$0x1] =	wrdreg $0xFFFFFFFF  }
0xbb: {  	[dreg:$0x0] =	wrdreg $0x60  }
0xbc: {  	[dreg:$0x2] =	wrdreg s2  }
0xbd: {  	[dreg:$0x3] =	wrdreg s15  }
0xbe: {  	[dreg:$0x4] =	wrdreg s24  }
0xbf: {  	[dreg:$0x5] =	wrdreg s8  }
0xc0: {  	[dreg:$0x6] =	wrdreg s7  }
0xc1: {  	[dreg:$0x7] =	wrdreg s9  }
0xc2: {  	[dreg:$0x8] =	wrdreg s10  }
0xc3: {  	[dreg:$0x9] =	wrdreg s11  }
0xc4: {  	[dreg:$0xa] =	wrdreg s16  }
0xc5: {  	[dreg:$0xb] =	wrdreg $0x9  }
0xc6: {  	_ =	task.clear_ibuf [dreg:s14], $0xCFFFF;
	_ =	strace $0x90000046  }
0xc7: {  	s29 =	simm.s32 $0x9;
	_ =	strace $0x80000048  }
0xc8: {  	_ =	swait.ge [sflag:s29], $0x1  }
0xc9: {  	[sflag:s29] =	ssyncadd.s32 $0xFFFFFFFF  }
0xca: {  	_ =	strace $0x90000048  }
0xcb: {  	_ =	sfence  }
0xcc: {  	s30 =	sld [smem:$0x0];
	_ =	sdelay $0x2  }
0xcd: {  	s31 =	sshll.u32 s1, $0xD;
	s1 =	sshrl.u32 s1, $0x2  }
0xce: {  	s3 =	sand.u32 $0x4000, s31;
	s1 =	sadd.s32 s1, s30  }
0xcf: {  	s0 =	sor.u32 s3, s0;
	s1 =	sshll.u32 s1, $0x11  }
0xd0: {  	s0 =	sor.u32 s1, s0  }
0xd1: {  	s0 =	sadd.s32 $0x8F2B, s0  }
0xd2: {  	[sflag:s0] =	ssyncadd.remote.s32 $0x1  }
0xd3: {  	_ =	sfence.sel $0xFFFF  }
0xd4: {  	[dreg:$0x0] =	wrdreg $0xFFFFFFFF;
	(pc) =	sbr.abs _section_cstart, $3  }
0xd5: {  	[dreg:$0x1] =	wrdreg $0xFFFFFFFF  }
0xd6: {  	_ =	task.clear_ibuf [dreg:s14], $0x2FFFF;
	_ =	strace $0x9FFFFFFF  }
0xd7: {  	(tm) =	ssettm $0x7FFFFFFF  }
tec
execute0_lowered:
.L_overlay_start_1:
0x0: {  	(tag) =	ssettag $0x1  }
0x1: {  	s0 =	rddreg [dreg:$0x0]  }
0x2: {  	s1 =	rddreg [dreg:$0x1]  }
0x3: {  	s2 =	rddreg [dreg:$0x2]  }
0x4: {  	s9 =	rddreg [dreg:$0x3]  }
0x5: {  	s8 =	rddreg [dreg:$0x4];
	s3 =	stileid.u32  }
0x6: {  	s7 =	rddreg [dreg:$0x5];
	p0 =	seq.s32 s3, $0xF  }
.Ltmp0:
0x7: {  	s6 =	rddreg [dreg:$0x6];
	(pc) =	sbr.rel @p0 .LBB2_3-.Ltmp0, $4  }
0x8: {  	s5 =	rddreg [dreg:$0x7]  }
0x9: {  	s4 =	simm.s32 $0x0;
	[dreg:$0xa] =	wrdreg s2  }
0xa: {  	[smem:$0x7FF] =	sst s4  }
0xb: {  	s2 =	rddreg [dreg:$0x8];
	_ =	strace $0x80000047  }
0xc: {  	s10 =	srdreg.scid;
	s3 =	stileid.u32  }
0xd: {  	s10 =	sand.u32 $0x1, s10;
	s11 =	sshll.u32 s3, $0x1  }
0xe: {  	s16 =	simm.s32 $0x880;
	s17 =	simm.s32 $0x1080;
	s11 =	sor.u32 s10, s11  }
0xf: {  	s28 =	simm.s32 $0x1;
	s29 =	simm.s32 $0x2000;
	s12 =	smul.u32 $0x6000, s11  }
0x10: {  	s30 =	simm.s32 $0x3000;
	[dreg:$0x17] =	wrdreg s16;
	s20 =	smul.u32 $0x1A, s11  }
0x11: {  	s31 =	simm.s32 $0x1000;
	s15 =	smul.u32 $0x34, s3;
	[dreg:$0x18] =	wrdreg s17  }
0x12: {  	s12 =	sshrl.u32 s12, $0x3;
	s23 =	sshrl.u32 s20, $0x8;
	s20 =	simm.s32 $0x2080  }
0x13: {  	s16 =	simm.s32 $0x6880;
	s13 =	sadd.s32 s9, s12;
	[dreg:$0x1a] =	wrdreg s20  }
0x14: {  	s17 =	simm.s32 $0x7080;
	s21 =	sadd.s32 s8, s12;
	[dreg:$0xb] =	wrdreg s13  }
0x15: {  	s18 =	ssub.s32 $0x2, s10;
	s24 =	sadd.s32 s7, s12;
	[dreg:$0xd] =	wrdreg s21  }
0x16: {  	s14 =	sadd.s32 $0x400, s12;
	s26 =	sadd.s32 s6, s12;
	[dreg:$0xf] =	wrdreg s24  }
0x17: {  	s10 =	sshrl.u32 s18, $0x1;
	s19 =	sadd.s32 s9, s14;
	[dreg:$0x11] =	wrdreg s26  }
0x18: {  	s20 =	simm.s32 $0x8880;
	s22 =	sadd.s32 s8, s14;
	[dreg:$0xc] =	wrdreg s19  }
0x19: {  	s9 =	smul.u32 $0xA, s23;
	s25 =	sadd.s32 s7, s14;
	[dreg:$0xe] =	wrdreg s22  }
0x1a: {  	s23 =	sshrl.u32 s15, $0x8;
	s7 =	sadd.s32 s6, s14;
	[dreg:$0x10] =	wrdreg s25  }
0x1b: {  	s13 =	sadd.s32 s2, s12;
	s6 =	sadd.s32 $0x200, s0;
	[dreg:$0x12] =	wrdreg s7  }
0x1c: {  	v6 =	vlaneseq.u32;
	s15 =	sadd.s32 s2, s14;
	s21 =	simm.s32 $0x2880;
	[dreg:$0x15] =	wrdreg s13  }
0x1d: {  	v1 =	vmul.u32 $0x3, v6;
	s24 =	simm.s32 $0x3880;
	s2 =	simm.s32 $0x2;
	[dreg:$0x16] =	wrdreg s15  }
0x1e: {  	s7 =	sadd.s32 $0x300, s0;
	s19 =	simm.s32 $0x1880;
	[dreg:$0x1b] =	wrdreg s21  }
0x1f: {  	v2 =	vadd.s32 $0x30, v1;
	s22 =	simm.s32 $0x3080;
	[dreg:$0x1d] =	wrdreg s24;
	s25 =	simm.s32 $0x4880  }
0x20: {  	s15 =	simm.s32 $0x6080;
	v0 =	vadd.s32 s23, v1;
	s21 =	simm.s32 $0x9080;
	v2 =	vadd.s32 s23, v2;
	s23 =	simm.s32 $0xA080  }
0x21: {  	s24 =	simm.s32 $0xA880;
	s3 =	ssub.s32 s11, s9;
	[dreg:$0x19] =	wrdreg s19  }
0x22: {  	s9 =	sadd.s32 s5, s12;
	s11 =	sadd.s32 s5, s14;
	[dreg:$0x1c] =	wrdreg s22  }
0x23: {  	s5 =	sadd.s32 $0x100, s0;
	s12 =	simm.s32 $0x4080;
	[dreg:$0x1e] =	wrdreg s25  }
0x24: {  	s14 =	simm.s32 $0x5880;
	s19 =	simm.s32 $0x8080;
	s22 =	simm.s32 $0x9880  }
0x25: {  	v3 =	vmul.u32 $0x140, v6;
	s25 =	simm.s32 $0xB080;
	s8 =	sand.u32 $0xFF, s3;
	[dreg:$0x13] =	wrdreg s9  }
0x26: {  	vm0 =	vmmov $0xffff;
	v5 =	vshrl.u32 v6, $0x3;
	[dreg:$0x14] =	wrdreg s11;
	s9 =	ssub.s32 s18, s10;
	s26 =	sshll.u32 s8, $0x5  }
0x27: {  	v4 =	vand.u32 $0x7, v6;
	s10 =	simm.s32 $0x3;
	s11 =	simm.s32 $0x80;
	s18 =	simm.s32 $0x7880;
	v1 =	vadd.s32 s26, v3;
	v3 =	vadd.s32 $0x1400, v3  }
0x28: {  	v6 =	vor.u32 $0x8, v6;
	v5 =	vmul.u32 $0x8, v5;
	s8 =	sadd.s32 $0x100, s1;
	s9 =	smax.u32 s9, $0x1;
	v3 =	vadd.s32 s26, v3;
	s26 =	simm.s32 $0xB880  }
.LBB2_2:
0x29: {  	s3 =	rddreg [dreg:$0xa]  }
0x2a: {  	[tilespmem:s4], [sflag:$0x3] =	stream.linear.gather [hbm4b:s3+s4], $0x80, $0x38;
	[tilespmem:$0xC080] =	vst v63  }
0x2b: {  	_ =	swait.ge [sflag:s10], $0x80  }
0x2c: {  	[sflag:s10] =	ssyncset.done $0x0  }
0x2d: {  	[sflag:s10] =	ssyncadd.s32 $0xFFFFFF80  }
0x2e: {  	v7 =	vld.idx.msk [tilespmem:v0+s4+$0x0], $0xffff;
	_ =	sdelay $0x4  }
0x2f: {  	v8 =	vadd.s32 v7, v1  }
0x30: {  	v8 =	vshrl.u32 v8, $0x3  }
0x31: {  	v7 =	vand.u32 $0x7, v7;
	v9 =	vshll.u32 v8, $0x6  }
0x32: {  	v9 =	vor.u32 v7, v9  }
0x33: {  	v10 =	vperm.xlane v9, v4;
	_ =	sdelay $0x1  }
0x34: {  	v10 =	vadd.s32 v5, v10;
	_ =	sdelay $0x4  }
0x35: {  	[tilespmem:s11], [sflag:$0x1] =	stream.indirect_vreg.gather [hbm4b:s0+s4], $0x80, v10, vm0, $0xb8;
	[tilespmem:$0xC080] =	vst v63  }
0x36: {  	s3 =	rddreg [dreg:$0x17];
	v9 =	vperm.xlane v9, v6  }
0x37: {  	[tilespmem:s3], [sflag:$0x1] =	stream.indirect_vreg.gather [hbm4b:s5+s4], $0x80, v10, vm0, $0xb8;
	[tilespmem:$0xC080] =	vst v63  }
0x38: {  	s13 =	rddreg [dreg:$0x18];
	v9 =	vadd.s32 v5, v9  }
0x39: {  	[tilespmem:s13], [sflag:$0x1] =	stream.indirect_vreg.gather [hbm4b:s6+s4], $0x80, v10, vm0, $0xb8;
	[tilespmem:$0xC080] =	vst v63  }
0x3a: {  	s3 =	rddreg [dreg:$0x19]  }
0x3b: {  	[tilespmem:s3], [sflag:$0x1] =	stream.indirect_vreg.gather [hbm4b:s7+s4], $0x80, v10, vm0, $0xb8;
	[tilespmem:$0xC080] =	vst v63  }
0x3c: {  	v8 =	vshll.u32 v8, $0x5;
	s13 =	rddreg [dreg:$0x1a]  }
0x3d: {  	v7 =	vor.u32 v7, v8;
	[tilespmem:s13], [sflag:$0x1] =	stream.indirect_vreg.gather [hbm4b:s0+s4], $0x80, v9, vm0, $0xb8;
	[tilespmem:$0xC080] =	vst v63  }
0x3e: {  	v8 =	vperm.xlane v7, v4;
	s3 =	rddreg [dreg:$0x1b]  }
0x3f: {  	[tilespmem:s3], [sflag:$0x1] =	stream.indirect_vreg.gather [hbm4b:s5+s4], $0x80, v9, vm0, $0xb8;
	[tilespmem:$0xC080] =	vst v63  }
0x40: {  	v8 =	vadd.s32 v5, v8;
	s13 =	rddreg [dreg:$0x1c]  }
0x41: {  	[tilespmem:s13], [sflag:$0x1] =	stream.indirect_vreg.gather [hbm4b:s6+s4], $0x80, v9, vm0, $0xb8;
	[tilespmem:$0xC080] =	vst v63  }
0x42: {  	v7 =	vperm.xlane v7, v6;
	s3 =	rddreg [dreg:$0x1d]  }
0x43: {  	[tilespmem:s3], [sflag:$0x1] =	stream.indirect_vreg.gather [hbm4b:s7+s4], $0x80, v9, vm0, $0xb8;
	[tilespmem:$0xC080] =	vst v63  }
0x44: {  	v7 =	vadd.s32 v5, v7  }
0x45: {  	[tilespmem:s12], [sflag:$0x1] =	stream.indirect_vreg.gather [hbm4b:s1+s4], $0x80, v8, vm0, $0xb8;
	[tilespmem:$0xC080] =	vst v63  }
0x46: {  	s13 =	rddreg [dreg:$0x1e]  }
0x47: {  	[tilespmem:s13], [sflag:$0x1] =	stream.indirect_vreg.gather [hbm4b:s8+s4], $0x80, v8, vm0, $0xb8;
	[tilespmem:$0xC080] =	vst v63  }
0x48: {  	s13 =	simm.s32 $0x5080  }
0x49: {  	[tilespmem:s13], [sflag:$0x1] =	stream.indirect_vreg.gather [hbm4b:s1+s4], $0x80, v7, vm0, $0xb8;
	[tilespmem:$0xC080] =	vst v63  }
0x4a: {  	_ = 	snop  }
0x4b: {  	[tilespmem:s14], [sflag:$0x1] =	stream.indirect_vreg.gather [hbm4b:s8+s4], $0x80, v7, vm0, $0xb8;
	[tilespmem:$0xC080] =	vst v63  }
0x4c: {  	v7 =	vld.idx.msk [tilespmem:v2+s4+$0x0], $0xffff;
	_ =	sdelay $0x4  }
0x4d: {  	v8 =	vadd.s32 v7, v3  }
0x4e: {  	v8 =	vshrl.u32 v8, $0x3  }
0x4f: {  	v7 =	vand.u32 $0x7, v7;
	v62 =	vshll.u32 v8, $0x6  }
0x50: {  	v9 =	vor.u32 v7, v62  }
0x51: {  	v63 =	vperm.xlane v9, v4;
	_ =	sdelay $0x1  }
0x52: {  	v10 =	vadd.s32 v5, v63;
	_ =	sdelay $0x4  }
0x53: {  	[tilespmem:s15], [sflag:$0x1] =	stream.indirect_vreg.gather [hbm4b:s0+s4], $0x80, v10, vm0, $0xb8;
	[tilespmem:$0xC080] =	vst v63  }
0x54: {  	v9 =	vperm.xlane v9, v6  }
0x55: {  	[tilespmem:s16], [sflag:$0x1] =	stream.indirect_vreg.gather [hbm4b:s5+s4], $0x80, v10, vm0, $0xb8;
	[tilespmem:$0xC080] =	vst v63  }
0x56: {  	v9 =	vadd.s32 v5, v9  }
0x57: {  	[tilespmem:s17], [sflag:$0x1] =	stream.indirect_vreg.gather [hbm4b:s6+s4], $0x80, v10, vm0, $0xb8;
	[tilespmem:$0xC080] =	vst v63  }
0x58: {  	_ = 	snop  }
0x59: {  	[tilespmem:s18], [sflag:$0x1] =	stream.indirect_vreg.gather [hbm4b:s7+s4], $0x80, v10, vm0, $0xb8;
	[tilespmem:$0xC080] =	vst v63  }
0x5a: {  	v8 =	vshll.u32 v8, $0x5  }
0x5b: {  	v7 =	vor.u32 v7, v8;
	[tilespmem:s19], [sflag:$0x1] =	stream.indirect_vreg.gather [hbm4b:s0+s4], $0x80, v9, vm0, $0xb8;
	[tilespmem:$0xC080] =	vst v63  }
0x5c: {  	v8 =	vperm.xlane v7, v4  }
0x5d: {  	[tilespmem:s20], [sflag:$0x1] =	stream.indirect_vreg.gather [hbm4b:s5+s4], $0x80, v9, vm0, $0xb8;
	[tilespmem:$0xC080] =	vst v63  }
0x5e: {  	v8 =	vadd.s32 v5, v8  }
0x5f: {  	[tilespmem:s21], [sflag:$0x1] =	stream.indirect_vreg.gather [hbm4b:s6+s4], $0x80, v9, vm0, $0xb8;
	[tilespmem:$0xC080] =	vst v63  }
0x60: {  	v7 =	vperm.xlane v7, v6  }
0x61: {  	[tilespmem:s22], [sflag:$0x1] =	stream.indirect_vreg.gather [hbm4b:s7+s4], $0x80, v9, vm0, $0xb8;
	[tilespmem:$0xC080] =	vst v63  }
0x62: {  	v7 =	vadd.s32 v5, v7  }
0x63: {  	[tilespmem:s23], [sflag:$0x1] =	stream.indirect_vreg.gather [hbm4b:s1+s4], $0x80, v8, vm0, $0xb8;
	[tilespmem:$0xC080] =	vst v63  }
0x64: {  	_ = 	snop  }
0x65: {  	[tilespmem:s24], [sflag:$0x1] =	stream.indirect_vreg.gather [hbm4b:s8+s4], $0x80, v8, vm0, $0xb8;
	[tilespmem:$0xC080] =	vst v63  }
0x66: {  	_ = 	snop  }
0x67: {  	[tilespmem:s25], [sflag:$0x1] =	stream.indirect_vreg.gather [hbm4b:s1+s4], $0x80, v7, vm0, $0xb8;
	[tilespmem:$0xC080] =	vst v63  }
0x68: {  	_ = 	snop  }
0x69: {  	[tilespmem:s26], [sflag:$0x1] =	stream.indirect_vreg.gather [hbm4b:s8+s4], $0x80, v7, vm0, $0xb8;
	[tilespmem:$0xC080] =	vst v63  }
0x6a: {  	_ =	swait.ge [sflag:s28], $0x4000  }
0x6b: {  	[sflag:s28] =	ssyncset.done $0x0  }
0x6c: {  	[sflag:s28] =	ssyncadd.s32 $0xFFFFC000  }
0x6d: {  	_ =	swait.ge [sflag:s28], $0x2000  }
0x6e: {  	[sflag:s28] =	ssyncset.done $0x0  }
0x6f: {  	[sflag:s28] =	ssyncadd.s32 $0xFFFFE000  }
0x70: {  	_ =	swait.ge [sflag:s28], $0x4000  }
0x71: {  	[sflag:s28] =	ssyncset.done $0x0  }
0x72: {  	[sflag:s28] =	ssyncadd.s32 $0xFFFFC000  }
0x73: {  	_ =	swait.ge [sflag:s28], $0x2000  }
0x74: {  	[sflag:s28] =	ssyncset.done $0x0  }
0x75: {  	s3 =	rddreg [dreg:$0xb];
	[sflag:s28] =	ssyncadd.s32 $0xFFFFE000  }
0x76: {  	[hbm4b:s3+s29] =	stream.strided.scatter [tilespmem:s11], [sflag:$0x2], $0x4000, s30, s29, $0x38;
	[tilespmem:$0xC080] =	vst v63  }
0x77: {  	s13 =	rddreg [dreg:$0xc]  }
0x78: {  	[hbm4b:s13+s31] =	stream.strided.scatter [tilespmem:s12], [sflag:$0x2], $0x2000, s30, s31, $0x38;
	[tilespmem:$0xC080] =	vst v63  }
0x79: {  	s3 =	rddreg [dreg:$0xd]  }
0x7a: {  	[hbm4b:s3+s29] =	stream.strided.scatter [tilespmem:s15], [sflag:$0x2], $0x4000, s30, s29, $0x38;
	[tilespmem:$0xC080] =	vst v63  }
0x7b: {  	s13 =	rddreg [dreg:$0xe]  }
0x7c: {  	[hbm4b:s13+s31] =	stream.strided.scatter [tilespmem:s23], [sflag:$0x2], $0x2000, s30, s31, $0x38;
	[tilespmem:$0xC080] =	vst v63  }
0x7d: {  	s3 =	rddreg [dreg:$0xf]  }
0x7e: {  	[hbm4b:s3+s29] =	stream.strided.scatter [tilespmem:s15], [sflag:$0x2], $0x4000, s30, s29, $0x38;
	[tilespmem:$0xC080] =	vst v63  }
0x7f: {  	s13 =	rddreg [dreg:$0x10]  }
0x80: {  	[hbm4b:s13+s31] =	stream.strided.scatter [tilespmem:s23], [sflag:$0x2], $0x2000, s30, s31, $0x38;
	[tilespmem:$0xC080] =	vst v63  }
0x81: {  	s3 =	rddreg [dreg:$0x11]  }
0x82: {  	[hbm4b:s3+s29] =	stream.strided.scatter [tilespmem:s15], [sflag:$0x2], $0x4000, s30, s29, $0x38;
	[tilespmem:$0xC080] =	vst v63  }
0x83: {  	s13 =	rddreg [dreg:$0x12]  }
0x84: {  	[hbm4b:s13+s31] =	stream.strided.scatter [tilespmem:s23], [sflag:$0x2], $0x2000, s30, s31, $0x38;
	[tilespmem:$0xC080] =	vst v63  }
0x85: {  	s3 =	rddreg [dreg:$0x13]  }
0x86: {  	[hbm4b:s3+s29] =	stream.strided.scatter [tilespmem:s15], [sflag:$0x2], $0x4000, s30, s29, $0x38;
	[tilespmem:$0xC080] =	vst v63  }
0x87: {  	s13 =	rddreg [dreg:$0x14]  }
0x88: {  	[hbm4b:s13+s31] =	stream.strided.scatter [tilespmem:s23], [sflag:$0x2], $0x2000, s30, s31, $0x38;
	[tilespmem:$0xC080] =	vst v63  }
0x89: {  	s3 =	rddreg [dreg:$0x15]  }
0x8a: {  	[hbm4b:s3+s29] =	stream.strided.scatter [tilespmem:s15], [sflag:$0x2], $0x4000, s30, s29, $0x38;
	[tilespmem:$0xC080] =	vst v63  }
0x8b: {  	s13 =	rddreg [dreg:$0x16]  }
0x8c: {  	[hbm4b:s13+s31] =	stream.strided.scatter [tilespmem:s23], [sflag:$0x2], $0x2000, s30, s31, $0x38;
	[tilespmem:$0xC080] =	vst v63  }
0x8d: {  	_ =	swait.ge [sflag:s2], $0x4000  }
0x8e: {  	[sflag:s2] =	ssyncset.done $0x0  }
0x8f: {  	[sflag:s2] =	ssyncadd.s32 $0xFFFFC000  }
0x90: {  	_ =	swait.ge [sflag:s2], $0x2000  }
0x91: {  	[sflag:s2] =	ssyncset.done $0x0  }
0x92: {  	[sflag:s2] =	ssyncadd.s32 $0xFFFFE000  }
0x93: {  	_ =	swait.ge [sflag:s2], $0x4000  }
0x94: {  	[sflag:s2] =	ssyncset.done $0x0  }
0x95: {  	[sflag:s2] =	ssyncadd.s32 $0xFFFFC000  }
0x96: {  	_ =	swait.ge [sflag:s2], $0x2000  }
0x97: {  	[sflag:s2] =	ssyncset.done $0x0  }
0x98: {  	[sflag:s2] =	ssyncadd.s32 $0xFFFFE000  }
0x99: {  	_ =	swait.ge [sflag:s2], $0x4000  }
0x9a: {  	[sflag:s2] =	ssyncset.done $0x0  }
0x9b: {  	[sflag:s2] =	ssyncadd.s32 $0xFFFFC000  }
0x9c: {  	_ =	swait.ge [sflag:s2], $0x2000  }
0x9d: {  	[sflag:s2] =	ssyncset.done $0x0  }
0x9e: {  	[sflag:s2] =	ssyncadd.s32 $0xFFFFE000  }
0x9f: {  	_ =	swait.ge [sflag:s2], $0x4000  }
0xa0: {  	[sflag:s2] =	ssyncset.done $0x0  }
0xa1: {  	[sflag:s2] =	ssyncadd.s32 $0xFFFFC000  }
0xa2: {  	_ =	swait.ge [sflag:s2], $0x2000  }
0xa3: {  	[sflag:s2] =	ssyncset.done $0x0  }
0xa4: {  	[sflag:s2] =	ssyncadd.s32 $0xFFFFE000  }
0xa5: {  	_ =	swait.ge [sflag:s2], $0x4000  }
0xa6: {  	[sflag:s2] =	ssyncset.done $0x0  }
0xa7: {  	[sflag:s2] =	ssyncadd.s32 $0xFFFFC000  }
0xa8: {  	_ =	swait.ge [sflag:s2], $0x2000  }
0xa9: {  	[sflag:s2] =	ssyncset.done $0x0  }
0xaa: {  	[sflag:s2] =	ssyncadd.s32 $0xFFFFE000  }
0xab: {  	p0 =	sne.s32 s9, $0x1;
	_ =	swait.ge [sflag:s2], $0x4000  }
.Ltmp1:
0xac: {  	[sflag:s2] =	ssyncset.done $0x0;
	(pc) =	sbr.rel @p0 .LBB2_2-.Ltmp1, $4  }
0xad: {  	[sflag:s2] =	ssyncadd.s32 $0xFFFFC000  }
0xae: {  	_ =	swait.ge [sflag:s2], $0x2000  }
0xaf: {  	[sflag:s2] =	ssyncset.done $0x0  }
0xb0: {  	s9 =	sadd.s32 $0xFFFFFFFF, s9;
	[sflag:s2] =	ssyncadd.s32 $0xFFFFE000  }
.LBB2_3:
0xb1: {  	_ =	sfence.sel $0x180000  }
0xb2: {  	[bflag:$0x0] =	sbarrier.arrive $0xFFFF  }
0xb3: {  	_ =	strace $0x90000047  }
0xb4: {  	s0 =	stileid.u32;
	[bflag:$0x2] =	sbarrier.arrive $0xFFFF  }
0xb5: {  	p0 =	sne.s32 s0, $0x0;
	s0 =	rddreg [dreg:$0x9]  }
0xb6: {  	s0 =	sadd.s32 @!p0 $0x100000, s0  }
0xb7: {  	[sflag:s0] =	ssyncadd.tile.s32 @!p0 $0x1;
	_ =	shalt  }
.Lfunc_end2:
_tile_overlayer_lowered:
.L_overlay_start_2:
0xb8: {  	(tag) =	ssettag $0x2  }
0xb9: {  	s0 =	rddreg [dreg:$0x0];
	s2 =	stileid.u32  }
0xba: {  	s1 =	rddreg [dreg:$0x1];
	p0 =	sne.s32 s2, $0x0  }
0xbb: {  	s3 =	rddreg [dreg:$0x2];
	[bflag:$0x3] =	sbarrier.arrive $0xFFFF;
	s2 =	simm.s32 @!p0 $0x1C03  }
0xbc: {  	[timem:s3], [sflag:s2] =	dma.local @!p0 [hbm:s0], s1  }
0xbd: {  	s0 =	simm.s32 @!p0 $0x3  }
0xbe: {  	_ =	swait.ge @!p0 [sflag:s0], s1  }
0xbf: {  	s1 =	ssub.s32 @!p0 $0x0, s1;
	[sflag:s0] =	ssyncset.done @!p0 $0x0  }
0xc0: {  	[sflag:s0] =	ssyncadd.s32 @!p0 s1  }
0xc1: {  	[bflag:$0x3] =	sbarrier.arrive $0xFFFF  }
0xc2: {  	_ =	shalt  }

</sc_bundles>
